<compile_context>
chip_gen: v7x
topology: tpu7x:2x2x1
jax: 0.10.2.dev20260603
libtpu: 0.0.44.dev20260713+nightly
codegen_flags: <defaults>
</compile_context>

<pallas_src>
import functools

import jax
import jax.numpy as jnp
from jax import lax
from jax.experimental import pallas as pl
from jax.experimental.pallas import tpu as pltpu
from jax.experimental.pallas import tpu_sc as plsc

N_EDGES = 160000
N_TRIP = 160000
H = 128

NC = 2
NS = 16
NW = NC * NS


_BA = 6400


def _silu(v):
    return v * (1.0 / (1.0 + jnp.exp(-v)))


def _pre_body(x_ref, rbf_ref, wkj_ref, bkj_ref, wrbf_ref, xkj_ref):
    xb = x_ref[...]
    rbf_p = jnp.dot(rbf_ref[...], wrbf_ref[...], preferred_element_type=jnp.float32)
    xkj_ref[...] = _silu(jnp.dot(xb, wkj_ref[...],
                                 preferred_element_type=jnp.float32) + bkj_ref[...]) * rbf_p


def _pre_call(x, rbf, wkjT, bkj, wrbfT):
    n = x.shape[0]
    grid = (n // _BA,)
    row_spec = pl.BlockSpec((_BA, H), lambda i: (i, 0))
    full = lambda shape: pl.BlockSpec(shape, lambda i: tuple(0 for _ in shape))
    return pl.pallas_call(
        _pre_body,
        grid=grid,
        in_specs=[
            row_spec,
            pl.BlockSpec((_BA, 6), lambda i: (i, 0)),
            full((H, H)), full((1, H)), full((6, H)),
        ],
        out_specs=row_spec,
        out_shape=jax.ShapeDtypeStruct((n, H), jnp.float32),
    )(x, rbf, wkjT, bkj, wrbfT)



_BC = 1280


def _einsum_body(g_ref, sbf_ref, wsbf_ref, w2_ref, msg_ref):
    g = g_ref[...]
    sbfp = jnp.dot(sbf_ref[...], wsbf_ref[...],
                   preferred_element_type=jnp.float32)
    parts = [g * sbfp[:, j:j + 1] for j in range(8)]
    g2 = jnp.concatenate(parts, axis=1).astype(jnp.bfloat16)
    msg_ref[...] = jnp.dot(g2, w2_ref[...], preferred_element_type=jnp.float32)


def _einsum_call(gathered, sbf, wsbfT, w2):
    nsbf = sbf.shape[0] // _BC - 1
    grid = (_T_PAD // _BC,)
    row_spec = pl.BlockSpec((_BC, H), lambda i: (i, 0))
    full = lambda shape: pl.BlockSpec(shape, lambda i: tuple(0 for _ in shape))
    return pl.pallas_call(
        _einsum_body,
        grid=grid,
        in_specs=[
            row_spec,
            pl.BlockSpec((_BC, 42), lambda i: (jnp.minimum(i, nsbf), 0)),
            full((42, 8)), full((8 * H, H)),
        ],
        out_specs=row_spec,
        out_shape=jax.ShapeDtypeStruct((_T_PAD, H), jnp.float32),
    )(gathered, sbf, wsbfT, w2)




def _post_body(agg_ref, x_ref,
               wji_ref, bji_ref,
               bw1_ref, bb1_ref, bw2_ref, bb2_ref,
               lw_ref, lb_ref,
               aw1a_ref, ab1a_ref, aw2a_ref, ab2a_ref,
               aw1b_ref, ab1b_ref, aw2b_ref, ab2b_ref,
               out_ref):
    dot = lambda a, w: jnp.dot(a, w[...], preferred_element_type=jnp.float32)
    x_ji = _silu(dot(x_ref[...], wji_ref) + bji_ref[...])
    h = x_ji + agg_ref[...]
    h = h + _silu(dot(_silu(dot(h, bw1_ref) + bb1_ref[...]), bw2_ref) + bb2_ref[...])
    h = _silu(dot(h, lw_ref) + lb_ref[...]) + x_ref[...]
    h = h + _silu(dot(_silu(dot(h, aw1a_ref) + ab1a_ref[...]), aw2a_ref) + ab2a_ref[...])
    h = h + _silu(dot(_silu(dot(h, aw1b_ref) + ab1b_ref[...]), aw2b_ref) + ab2b_ref[...])
    out_ref[...] = h


def _post_call(agg, x, mats, vecs):
    n = x.shape[0]
    grid = (n // _BA,)
    row_spec = pl.BlockSpec((_BA, H), lambda i: (i, 0))
    fullm = pl.BlockSpec((H, H), lambda i: (0, 0))
    fullv = pl.BlockSpec((1, H), lambda i: (0, 0))
    wji, bw1, bw2, lw, aw1a, aw2a, aw1b, aw2b = mats
    bji, bb1, bb2, lb, ab1a, ab2a, ab1b, ab2b = vecs
    ops = [wji, bji, bw1, bb1, bw2, bb2, lw, lb,
           aw1a, ab1a, aw2a, ab2a, aw1b, ab1b, aw2b, ab2b]
    specs = [fullm, fullv] * 8
    return pl.pallas_call(
        _post_body,
        grid=grid,
        in_specs=[row_spec, row_spec] + specs,
        out_specs=row_spec,
        out_shape=jax.ShapeDtypeStruct((n, H), jnp.float32),
    )(agg, x, *ops)



_T_PAD = 163840
_GCHUNK = 128
_G_PER_W = _T_PAD // NW
_G_NBODY = _G_PER_W // (2 * _GCHUNK)


def _sc_gather(table, idx):
    mesh = plsc.VectorSubcoreMesh(core_axis_name="c", subcore_axis_name="s")

    @functools.partial(
        pl.kernel, mesh=mesh,
        out_type=jax.ShapeDtypeStruct((_T_PAD, H), jnp.float32),
        scratch_types=[
            pltpu.VMEM((2 * _GCHUNK,), jnp.int32),
            pltpu.VMEM((2, _GCHUNK, H), jnp.float32),
            pltpu.SemaphoreType.DMA,
            pltpu.SemaphoreType.DMA,
            pltpu.SemaphoreType.DMA,
            pltpu.SemaphoreType.DMA,
            pltpu.SemaphoreType.DMA,
            pltpu.SemaphoreType.DMA,
        ],
    )
    def gather_k(table_hbm, idx_hbm, out_hbm, idxg, rows,
                 semi0, semi1, semg0, semg1, semo0, semo1):
        wid = lax.axis_index("s") * NC + lax.axis_index("c")
        base = wid * _G_PER_W

        def idx_src(g):
            return idx_hbm.at[pl.ds(pl.multiple_of(base + g * _GCHUNK, 8),
                                    _GCHUNK)]

        def out_dst(g):
            return out_hbm.at[pl.ds(pl.multiple_of(base + g * _GCHUNK, 8),
                                    _GCHUNK)]

        pltpu.async_copy(idx_src(0), idxg.at[pl.ds(0, _GCHUNK)], semi0)
        pltpu.async_copy(idx_src(1), idxg.at[pl.ds(_GCHUNK, _GCHUNK)], semi1)

        def body(i, _):
            for b in range(2):
                g = i * 2 + b
                io = b * _GCHUNK
                semi = semi0 if b == 0 else semi1
                semg = semg0 if b == 0 else semg1
                semo = semo0 if b == 0 else semo1
                pltpu.make_async_copy(
                    idx_src(g), idxg.at[pl.ds(io, _GCHUNK)], semi).wait()
                @pl.when(i > 0)
                def _():
                    pltpu.make_async_copy(rows.at[b], out_dst(g), semo).wait()
                pltpu.async_copy(
                    table_hbm.at[idxg.at[pl.ds(io, _GCHUNK)]],
                    rows.at[b], semg)
            for b in range(2):
                g = i * 2 + b
                io = b * _GCHUNK
                semi = semi0 if b == 0 else semi1
                semg = semg0 if b == 0 else semg1
                semo = semo0 if b == 0 else semo1
                pltpu.make_async_copy(
                    table_hbm.at[idxg.at[pl.ds(io, _GCHUNK)]],
                    rows.at[b], semg).wait()
                @pl.when(i < _G_NBODY - 1)
                def _():
                    pltpu.async_copy(
                        idx_src(g + 2), idxg.at[pl.ds(io, _GCHUNK)], semi)
                pltpu.async_copy(rows.at[b], out_dst(g), semo)
            return 0

        lax.fori_loop(0, _G_NBODY, body, 0)
        pltpu.make_async_copy(rows.at[0], out_dst(0), semo0).wait()
        pltpu.make_async_copy(rows.at[1], out_dst(1), semo1).wait()

    return gather_k(table, idx)



_SCHUNK = 128
_R = 12416
_NUNIT = 7
_ACC_ROWS = _R + 256
_E_PAD = NC * _NUNIT * _R
_S_PER_W = _T_PAD // NS
_IBLK = 2048
_SPARE = _S_PER_W + _SCHUNK
_ZPS = _ACC_ROWS // NS
_WPS = _R // NS


def _sc_scatter(msg, idx):
    mesh = plsc.VectorSubcoreMesh(core_axis_name="c", subcore_axis_name="s")
    zeros_blk = jnp.zeros((_ACC_ROWS, H), jnp.float32)
    idx_pad = jnp.concatenate(
        [idx, jnp.full((_T_PAD - N_TRIP,), 200000, jnp.int32)])

    @functools.partial(
        pl.kernel, mesh=mesh,
        out_type=jax.ShapeDtypeStruct((_E_PAD, H), jnp.float32),
        compiler_params=pltpu.CompilerParams(needs_layout_passes=False),
        scratch_types=[
            pltpu.VMEM((_IBLK,), jnp.int32),
            pltpu.VMEM((_SPARE + 16,), jnp.int32),
            pltpu.VMEM((_SCHUNK,), jnp.int32),
            pltpu.VMEM((_SCHUNK,), jnp.int32),
            pltpu.VMEM((_SCHUNK, H), jnp.float32),
            pltpu.VMEM_SHARED((_ACC_ROWS, H), jnp.float32),
            pltpu.SemaphoreType.DMA,
        ],
    )
    def scatter_k(msg_hbm, idx_hbm, zeros_hbm, out_hbm,
                  idxc, packbuf, pos_v, rel_v, msg_v, acc, sem):
        c = lax.axis_index("c")
        s = lax.axis_index("s")
        tbase = s * _S_PER_W
        lanes = lax.iota(jnp.int32, 16)
        dump = _R + 16 * s + lanes

        def unit_body(p, _):
            rowbase = (p * NC + c) * _R

            pltpu.sync_copy(
                zeros_hbm.at[pl.ds(pl.multiple_of(s * _ZPS, 8), _ZPS)],
                acc.at[pl.ds(pl.multiple_of(s * _ZPS, 8), _ZPS)])
            plsc.subcore_barrier()

            def blk_body(blk, cnt_vec):
                pltpu.sync_copy(
                    idx_hbm.at[pl.ds(pl.multiple_of(tbase + blk * _IBLK, 8),
                                     _IBLK)], idxc)
                def step(i, cv):
                    v = idxc[pl.ds(pl.multiple_of(i * 16, 16), 16)]
                    rel = v - rowbase
                    ok = (rel >= 0) & (rel < _R)
                    oki = ok.astype(jnp.int32)
                    slot = cv + jnp.cumsum(oki) - 1
                    slot = jnp.where(ok, slot, _SPARE + lanes)
                    packed = ((rel << 18)
                              | (tbase + blk * _IBLK + i * 16 + lanes))
                    plsc.store_scatter(packbuf, [slot], packed)
                    return cv + plsc.all_reduce_population_count(ok)
                return lax.fori_loop(0, _IBLK // 16, step, cnt_vec)

            cnt_vec = lax.fori_loop(0, _S_PER_W // _IBLK, blk_body,
                                    jnp.zeros((16,), jnp.int32))
            dpk = dump << 18
            for k in range(_SCHUNK // 16):
                plsc.store_scatter(packbuf, [cnt_vec + k * 16 + lanes], dpk)
            n = cnt_vec[0]

            def g_body(g, _):
                for k in range(_SCHUNK // 16):
                    pk = packbuf[pl.ds(
                        pl.multiple_of(g * _SCHUNK + k * 16, 16), 16)]
                    pos_v[pl.ds(k * 16, 16)] = pk & 0x3FFFF
                    rel_v[pl.ds(k * 16, 16)] = (pk >> 18) & 0x3FFF
                pltpu.async_copy(msg_hbm.at[pos_v], msg_v, sem).wait()
                pltpu.sync_copy(msg_v, acc.at[rel_v], add=True)
                return 0
            lax.fori_loop(0, (n + _SCHUNK - 1) >> 7, g_body, 0)
            plsc.subcore_barrier()

            pltpu.sync_copy(
                acc.at[pl.ds(pl.multiple_of(s * _WPS, 8), _WPS)],
                out_hbm.at[pl.ds(rowbase + s * _WPS, _WPS)])
            plsc.subcore_barrier()
            return 0

        lax.fori_loop(0, _NUNIT, unit_body, 0)

    return scatter_k(msg, idx_pad, zeros_blk)




def kernel(x, rbf, sbf, idx_kj, idx_ji, lin_rbf_w, lin_sbf_w, lin_ji_w,
           lin_ji_b, lin_kj_w, lin_kj_b, W, before_w1, before_b1, before_w2,
           before_b2, lin_w, lin_b, after_w1, after_b1, after_w2, after_b2):
    f32 = jnp.float32
    idx_kj = idx_kj.astype(jnp.int32)
    idx_ji = idx_ji.astype(jnp.int32)

    wjiT = lin_ji_w.T.astype(f32)
    wkjT = lin_kj_w.T.astype(f32)
    wrbfT = lin_rbf_w.T.astype(f32)
    wsbfT = lin_sbf_w.T.astype(f32)
    w2 = W.transpose(1, 2, 0).reshape(8 * H, H).astype(jnp.bfloat16)

    bji = lin_ji_b.reshape(1, H)
    bkj = lin_kj_b.reshape(1, H)

    x_kj = _pre_call(x, rbf, wkjT, bkj, wrbfT)
    idx_kj_pad = jnp.concatenate(
        [idx_kj, jnp.zeros((_T_PAD - N_TRIP,), jnp.int32)])
    gathered = _sc_gather(x_kj, idx_kj_pad)
    msg = _einsum_call(gathered, sbf, wsbfT, w2)
    agg = _sc_scatter(msg, idx_ji)

    mats = (wjiT, before_w1[0].T, before_w2[0].T, lin_w.T,
            after_w1[0].T, after_w2[0].T, after_w1[1].T, after_w2[1].T)
    vecs = (bji, before_b1[0].reshape(1, H), before_b2[0].reshape(1, H),
            lin_b.reshape(1, H),
            after_b1[0].reshape(1, H), after_b2[0].reshape(1, H),
            after_b1[1].reshape(1, H), after_b2[1].reshape(1, H))
    return _post_call(agg, x, mats, vecs)

# --- scband reference (transcript-rebuilt; emitter-appended) ---
"""Pipeline reference for scband-interaction-block-87411174408855 (READ-ONLY COPY).

The authoritative reference and input builder live on the scoring server;
editing this copy changes nothing except your own understanding.
"""

import jax, jax.numpy as jnp
import numpy as np

N_EDGES = 160000
N_TRIP = 160000
H = 128
NB = 8
NS = 7
NR = 6

def setup_inputs(seed: int = 0):
    key = jax.random.key(seed)
    ks = jax.random.split(key, 16)
    s = 0.05
    inp = {}
    inp["x"] = jax.random.normal(ks[0], (N_EDGES, H), dtype=jnp.float32)
    inp["rbf"] = jax.random.normal(ks[1], (N_EDGES, NR), dtype=jnp.float32)
    inp["sbf"] = jax.random.normal(ks[2], (N_TRIP, NS * NR), dtype=jnp.float32)
    inp["idx_kj"] = jax.random.randint(ks[3], (N_TRIP,), 0, N_EDGES)
    inp["idx_ji"] = jax.random.randint(ks[4], (N_TRIP,), 0, N_EDGES)
    inp["lin_rbf_w"] = jax.random.normal(ks[5], (H, NR), dtype=jnp.float32) * s
    inp["lin_sbf_w"] = jax.random.normal(ks[6], (NB, NS * NR), dtype=jnp.float32) * s
    inp["lin_ji_w"] = jax.random.normal(ks[7], (H, H), dtype=jnp.float32) * s
    inp["lin_ji_b"] = jnp.zeros((H,), dtype=jnp.float32)
    inp["lin_kj_w"] = jax.random.normal(ks[8], (H, H), dtype=jnp.float32) * s
    inp["lin_kj_b"] = jnp.zeros((H,), dtype=jnp.float32)
    inp["W"] = jax.random.normal(ks[9], (H, NB, H), dtype=jnp.float32) * (2.0 / H)
    inp["before_w1"] = jax.random.normal(ks[10], (1, H, H), dtype=jnp.float32) * s
    inp["before_b1"] = jnp.zeros((1, H), dtype=jnp.float32)
    inp["before_w2"] = jax.random.normal(ks[11], (1, H, H), dtype=jnp.float32) * s
    inp["before_b2"] = jnp.zeros((1, H), dtype=jnp.float32)
    inp["lin_w"] = jax.random.normal(ks[12], (H, H), dtype=jnp.float32) * s
    inp["lin_b"] = jnp.zeros((H,), dtype=jnp.float32)
    inp["after_w1"] = jax.random.normal(ks[13], (2, H, H), dtype=jnp.float32) * s
    inp["after_b1"] = jnp.zeros((2, H), dtype=jnp.float32)
    inp["after_w2"] = jax.random.normal(ks[14], (2, H, H), dtype=jnp.float32) * s
    inp["after_b2"] = jnp.zeros((2, H), dtype=jnp.float32)
    return inp

def reference(x, rbf, sbf, idx_kj, idx_ji, lin_rbf_w, lin_sbf_w, lin_ji_w, lin_ji_b, lin_kj_w, lin_kj_b, W, before_w1, before_b1, before_w2, before_b2, lin_w, lin_b, after_w1, after_b1, after_w2, after_b2):
    act = jax.nn.silu
    rbf_p = rbf @ lin_rbf_w.T
    sbf_p = sbf @ lin_sbf_w.T
    x_ji = act(x @ lin_ji_w.T + lin_ji_b)
    x_kj = act(x @ lin_kj_w.T + lin_kj_b)
    x_kj = x_kj * rbf_p
    gathered = jnp.take(x_kj, idx_kj, axis=0)
    msg = jnp.einsum('wj,wl,ijl->wi', sbf_p, gathered, W)
    agg = jax.ops.segment_sum(msg, idx_ji, num_segments=x.shape[0])
    h = x_ji + agg
    for i in range(before_w1.shape[0]):
        h = h + act(act(h @ before_w1[i].T + before_b1[i]) @ before_w2[i].T + before_b2[i])
    h = act(h @ lin_w.T + lin_b) + x
    for i in range(after_w1.shape[0]):
        h = h + act(act(h @ after_w1[i].T + after_b1[i]) @ after_w2[i].T + after_b2[i])
    return h

if __name__ == "__main__":
    import jax
    _d = setup_inputs()
    print(jax.jit(kernel)(*tuple(_d.values())))

</pallas_src>

<mosaic_0001>
#map = affine_map<(d0, d1) -> (0, 0)>
#map1 = affine_map<(d0, d1) -> (0)>
module attributes {stable_mosaic.version = 14 : i64} {
  func.func @scatter_k(%arg0: i32, %arg1: i32, %arg2: memref<163840x128xf32, #tpu.memory_space<hbm>>, %arg3: memref<163840xi32, #tpu.memory_space<hbm>>, %arg4: memref<12672x128xf32, #tpu.memory_space<hbm>>, %arg5: memref<173824x128xf32, #tpu.memory_space<hbm>>, %arg6: memref<2048xi32, #tpu.memory_space<vmem>>, %arg7: memref<10384xi32, #tpu.memory_space<vmem>>, %arg8: memref<128xi32, #tpu.memory_space<vmem>>, %arg9: memref<128xi32, #tpu.memory_space<vmem>>, %arg10: memref<128x128xf32, #tpu.memory_space<vmem>>, %arg11: memref<12672x128xf32, #tpu.memory_space<vmem_shared>>, %arg12: memref<!tpu.dma_semaphore, #tpu.memory_space<semaphore_mem>>) attributes {dimension_semantics = [#tpu.dimension_semantics<core_parallel>, #tpu.dimension_semantics<subcore_parallel>], iteration_bounds = array<i64: 2, 16>, scalar_prefetch = 0 : i64, scratch_operands = 7 : i64, tpu.core_type = #tpu.core_type<sc_vector_subcore>, window_params = [{transform_indices = #map}, {transform_indices = #map1}, {transform_indices = #map}, {transform_indices = #map}]} {
    %mul3A = arith.constant 10240 : i32
    %mul3A_0 = arith.muli %arg1, %mul3A : i32
    %iota3A = tpu.iota {dimensions = array<i32: 0>} : vector<16xi32>
    %mul3A_1 = arith.constant 16 : i32
    %mul3A_2 = arith.muli %mul3A_1, %arg1 : i32
    %add3A = arith.constant 12416 : i32
    %add3A_3 = arith.addi %add3A, %mul3A_2 : i32
    %add3A_4 = vector.broadcast %add3A_3 : i32 to vector<16xi32>
    %add3A_5 = arith.addi %add3A_4, %iota3A : vector<16xi32>
    %scan3A = arith.constant 0 : i32
    %scan3A_6 = arith.constant 0 : i32
    %scan3A_7 = arith.constant 7 : i32
    %scan3A_8 = arith.addi %scan3A_6, %scan3A_7 : i32
    %scan3A_9 = arith.constant 1 : i32
    %scan3A_10 = scf.for %scan3A_12 = %scan3A_6 to %scan3A_8 step %scan3A_9 iter_args(%scan3A_13 = %scan3A) -> (i32)  : i32 {
      %mul3A_14 = arith.constant 2 : i32
      %mul3A_15 = arith.muli %scan3A_12, %mul3A_14 : i32
      %add3A_16 = arith.addi %mul3A_15, %arg0 : i32
      %mul3A_17 = arith.constant 12416 : i32
      %mul3A_18 = arith.muli %add3A_16, %mul3A_17 : i32
      %mul3A_19 = arith.constant 792 : i32
      %mul3A_20 = arith.muli %arg1, %mul3A_19 : i32
      %multiple_of3A = tpu.assume_multiple %mul3A_20, 8 : i32
      %mul3A_21 = arith.constant 792 : i32
      %mul3A_22 = arith.muli %arg1, %mul3A_21 : i32
      %multiple_of3A_23 = tpu.assume_multiple %mul3A_22, 8 : i32
      "tpu.region"() ({
        %run_scoped3A = tpu.sem_alloc : memref<!tpu.dma_semaphore, #tpu.memory_space<semaphore_mem>>
        %dma_start3A = arith.constant 0 : i32
        %dma_start3A_89 = tpu.memref_slice %arg11[%multiple_of3A_23, %dma_start3A] : memref<12672x128xf32, #tpu.memory_space<vmem_shared>> -> memref<792x128xf32, #tpu.memory_space<vmem_shared>>
        %dma_start3A_90 = arith.constant 0 : i32
        %dma_start3A_91 = tpu.memref_slice %arg4[%multiple_of3A, %dma_start3A_90] : memref<12672x128xf32, #tpu.memory_space<hbm>> -> memref<792x128xf32, #tpu.memory_space<hbm>>
        tpu.enqueue_dma source(%dma_start3A_91 : memref<792x128xf32, #tpu.memory_space<hbm>>) target(%dma_start3A_89 : memref<792x128xf32, #tpu.memory_space<vmem_shared>>) target_semaphore(%run_scoped3A : memref<!tpu.dma_semaphore, #tpu.memory_space<semaphore_mem>>)
        %dma_wait3A = arith.constant 0 : i32
        %dma_wait3A_92 = tpu.memref_slice %arg11[%multiple_of3A_23, %dma_wait3A] : memref<12672x128xf32, #tpu.memory_space<vmem_shared>> -> memref<792x128xf32, #tpu.memory_space<vmem_shared>>
        %dma_wait3A_93 = arith.constant 0 : i32
        %dma_wait3A_94 = tpu.memref_slice %arg4[%multiple_of3A, %dma_wait3A_93] : memref<12672x128xf32, #tpu.memory_space<hbm>> -> memref<792x128xf32, #tpu.memory_space<hbm>>
        tpu.wait_dma2 semaphore(%run_scoped3A : memref<!tpu.dma_semaphore, #tpu.memory_space<semaphore_mem>>) src(%dma_wait3A_94 : memref<792x128xf32, #tpu.memory_space<hbm>>) dst(%dma_wait3A_92 : memref<792x128xf32, #tpu.memory_space<vmem_shared>>)
        tpu.yield
      }) : () -> ()
      %barrier3A = arith.constant 0 : index
      tpu.barrier barrier_id(%barrier3A)
      %broadcast_in_dim3A = arith.constant 0 : i32
      %broadcast_in_dim3A_24 = vector.broadcast %broadcast_in_dim3A : i32 to vector<16xi32>
      %scan3A_25 = arith.constant 0 : i32
      %scan3A_26 = arith.constant 5 : i32
      %scan3A_27 = arith.addi %scan3A_25, %scan3A_26 : i32
      %scan3A_28 = arith.constant 1 : i32
      %scan3A_29 = scf.for %scan3A_89 = %scan3A_25 to %scan3A_27 step %scan3A_28 iter_args(%scan3A_90 = %broadcast_in_dim3A_24) -> (vector<16xi32>)  : i32 {
        %mul3A_91 = arith.constant 2048 : i32
        %mul3A_92 = arith.muli %scan3A_89, %mul3A_91 : i32
        %add3A_93 = arith.addi %mul3A_0, %mul3A_92 : i32
        %multiple_of3A_94 = tpu.assume_multiple %add3A_93, 8 : i32
        "tpu.region"() ({
          %run_scoped3A = tpu.sem_alloc : memref<!tpu.dma_semaphore, #tpu.memory_space<semaphore_mem>>
          %dma_start3A = tpu.memref_slice %arg3[%multiple_of3A_94] : memref<163840xi32, #tpu.memory_space<hbm>> -> memref<2048xi32, #tpu.memory_space<hbm>>
          %dma_start3A_101 = tpu.memref_slice %arg3[%multiple_of3A_94] : memref<163840xi32, #tpu.memory_space<hbm>> -> memref<2048xi32, #tpu.memory_space<hbm>>
          tpu.enqueue_dma source(%dma_start3A_101 : memref<2048xi32, #tpu.memory_space<hbm>>) target(%arg6 : memref<2048xi32, #tpu.memory_space<vmem>>) target_semaphore(%run_scoped3A : memref<!tpu.dma_semaphore, #tpu.memory_space<semaphore_mem>>)
          %dma_wait3A = tpu.memref_slice %arg3[%multiple_of3A_94] : memref<163840xi32, #tpu.memory_space<hbm>> -> memref<2048xi32, #tpu.memory_space<hbm>>
          %dma_wait3A_102 = tpu.memref_slice %arg3[%multiple_of3A_94] : memref<163840xi32, #tpu.memory_space<hbm>> -> memref<2048xi32, #tpu.memory_space<hbm>>
          tpu.wait_dma2 semaphore(%run_scoped3A : memref<!tpu.dma_semaphore, #tpu.memory_space<semaphore_mem>>) src(%dma_wait3A_102 : memref<2048xi32, #tpu.memory_space<hbm>>) dst(%arg6 : memref<2048xi32, #tpu.memory_space<vmem>>)
          tpu.yield
        }) : () -> ()
        %scan3A_95 = arith.constant 0 : i32
        %scan3A_96 = arith.constant 128 : i32
        %scan3A_97 = arith.addi %scan3A_95, %scan3A_96 : i32
        %scan3A_98 = arith.constant 1 : i32
        %scan3A_99 = scf.for %scan3A_101 = %scan3A_95 to %scan3A_97 step %scan3A_98 iter_args(%scan3A_102 = %scan3A_90) -> (vector<16xi32>)  : i32 {
          %mul3A_103 = arith.constant 16 : i32
          %mul3A_104 = arith.muli %scan3A_101, %mul3A_103 : i32
          %multiple_of3A_105 = tpu.assume_multiple %mul3A_104, 16 : i32
          %get3A = arith.index_cast %multiple_of3A_105 : i32 to index
          %get3A_106 = tpu.vector_load %arg6[%get3A] {strides = array<i32>} : memref<2048xi32, #tpu.memory_space<vmem>>, vector<16xi32>,
          %sub3A_107 = vector.broadcast %mul3A_18 : i32 to vector<16xi32>
          %sub3A_108 = arith.subi %get3A_106, %sub3A_107 : vector<16xi32>
          %ge3A = arith.constant 0 : i32
          %ge3A_109 = vector.broadcast %ge3A : i32 to vector<16xi32>
          %ge3A_110 = arith.cmpi sge, %sub3A_108, %ge3A_109 : vector<16xi32>
          %lt3A = arith.constant 12416 : i32
          %lt3A_111 = vector.broadcast %lt3A : i32 to vector<16xi32>
          %lt3A_112 = arith.cmpi slt, %sub3A_108, %lt3A_111 : vector<16xi32>
          %and3A = arith.andi %ge3A_110, %lt3A_112 : vector<16xi1>
          %convert_element_type3A = arith.extui %and3A : vector<16xi1> to vector<16xi32>
          %cumsum3A = arith.constant true
          %cumsum3A_113 = vector.broadcast %cumsum3A : i1 to vector<16xi1>
          %cumsum3A_114 = tpu.scan <sum>, %convert_element_type3A masked %cumsum3A_113 : vector<16xi32>, vector<16xi1> -> vector<16xi32>
          %add3A_115 = arith.addi %scan3A_102, %cumsum3A_114 : vector<16xi32>
          %sub3A_116 = arith.constant 1 : i32
          %sub3A_117 = vector.broadcast %sub3A_116 : i32 to vector<16xi32>
          %sub3A_118 = arith.subi %add3A_115, %sub3A_117 : vector<16xi32>
          %add3A_119 = arith.constant 10368 : i32
          %add3A_120 = vector.broadcast %add3A_119 : i32 to vector<16xi32>
          %add3A_121 = arith.addi %add3A_120, %iota3A : vector<16xi32>
          %select_n3A = arith.select %and3A, %sub3A_118, %add3A_121 : vector<16xi1>, vector<16xi32>
          %shift_left3A_122 = arith.constant 18 : i32
          %shift_left3A_123 = vector.broadcast %shift_left3A_122 : i32 to vector<16xi32>
          %shift_left3A_124 = arith.shli %sub3A_108, %shift_left3A_123 : vector<16xi32>
          %mul3A_125 = arith.constant 2048 : i32
          %mul3A_126 = arith.muli %scan3A_89, %mul3A_125 : i32
          %add3A_127 = arith.addi %mul3A_0, %mul3A_126 : i32
          %mul3A_128 = arith.constant 16 : i32
          %mul3A_129 = arith.muli %scan3A_101, %mul3A_128 : i32
          %add3A_130 = arith.addi %add3A_127, %mul3A_129 : i32
          %add3A_131 = vector.broadcast %add3A_130 : i32 to vector<16xi32>
          %add3A_132 = arith.addi %add3A_131, %iota3A : vector<16xi32>
          %or3A = arith.ori %shift_left3A_124, %add3A_132 : vector<16xi32>
          tpu.vector_store_idx %arg7[%select_n3A], %or3A : memref<10384xi32, #tpu.memory_space<vmem>>[vector<16xi32>], vector<16xi32>,
          %all_reduce_population_count3A = tpu.all_reduce %and3A {dim = 0 : i64, kind = #tpu.reduction_kind<sum>} : vector<16xi1> -> vector<16xi32>
          %add3A_133 = arith.addi %scan3A_102, %all_reduce_population_count3A : vector<16xi32>
          scf.yield %add3A_133 : vector<16xi32>
        }
        %scan3A_100 = arith.constant 128 : i32
        scf.yield %scan3A_99 : vector<16xi32>
      }
      %scan3A_30 = arith.constant 5 : i32
      %shift_left3A = arith.constant 18 : i32
      %shift_left3A_31 = vector.broadcast %shift_left3A : i32 to vector<16xi32>
      %shift_left3A_32 = arith.shli %add3A_5, %shift_left3A_31 : vector<16xi32>
      %add3A_33 = arith.constant 0 : i32
      %add3A_34 = vector.broadcast %add3A_33 : i32 to vector<16xi32>
      %add3A_35 = arith.addi %scan3A_29, %add3A_34 : vector<16xi32>
      %add3A_36 = arith.addi %add3A_35, %iota3A : vector<16xi32>
      tpu.vector_store_idx %arg7[%add3A_36], %shift_left3A_32 : memref<10384xi32, #tpu.memory_space<vmem>>[vector<16xi32>], vector<16xi32>,
      %add3A_37 = arith.constant 16 : i32
      %add3A_38 = vector.broadcast %add3A_37 : i32 to vector<16xi32>
      %add3A_39 = arith.addi %scan3A_29, %add3A_38 : vector<16xi32>
      %add3A_40 = arith.addi %add3A_39, %iota3A : vector<16xi32>
      tpu.vector_store_idx %arg7[%add3A_40], %shift_left3A_32 : memref<10384xi32, #tpu.memory_space<vmem>>[vector<16xi32>], vector<16xi32>,
      %add3A_41 = arith.constant 32 : i32
      %add3A_42 = vector.broadcast %add3A_41 : i32 to vector<16xi32>
      %add3A_43 = arith.addi %scan3A_29, %add3A_42 : vector<16xi32>
      %add3A_44 = arith.addi %add3A_43, %iota3A : vector<16xi32>
      tpu.vector_store_idx %arg7[%add3A_44], %shift_left3A_32 : memref<10384xi32, #tpu.memory_space<vmem>>[vector<16xi32>], vector<16xi32>,
      %add3A_45 = arith.constant 48 : i32
      %add3A_46 = vector.broadcast %add3A_45 : i32 to vector<16xi32>
      %add3A_47 = arith.addi %scan3A_29, %add3A_46 : vector<16xi32>
      %add3A_48 = arith.addi %add3A_47, %iota3A : vector<16xi32>
      tpu.vector_store_idx %arg7[%add3A_48], %shift_left3A_32 : memref<10384xi32, #tpu.memory_space<vmem>>[vector<16xi32>], vector<16xi32>,
      %add3A_49 = arith.constant 64 : i32
      %add3A_50 = vector.broadcast %add3A_49 : i32 to vector<16xi32>
      %add3A_51 = arith.addi %scan3A_29, %add3A_50 : vector<16xi32>
      %add3A_52 = arith.addi %add3A_51, %iota3A : vector<16xi32>
      tpu.vector_store_idx %arg7[%add3A_52], %shift_left3A_32 : memref<10384xi32, #tpu.memory_space<vmem>>[vector<16xi32>], vector<16xi32>,
      %add3A_53 = arith.constant 80 : i32
      %add3A_54 = vector.broadcast %add3A_53 : i32 to vector<16xi32>
      %add3A_55 = arith.addi %scan3A_29, %add3A_54 : vector<16xi32>
      %add3A_56 = arith.addi %add3A_55, %iota3A : vector<16xi32>
      tpu.vector_store_idx %arg7[%add3A_56], %shift_left3A_32 : memref<10384xi32, #tpu.memory_space<vmem>>[vector<16xi32>], vector<16xi32>,
      %add3A_57 = arith.constant 96 : i32
      %add3A_58 = vector.broadcast %add3A_57 : i32 to vector<16xi32>
      %add3A_59 = arith.addi %scan3A_29, %add3A_58 : vector<16xi32>
      %add3A_60 = arith.addi %add3A_59, %iota3A : vector<16xi32>
      tpu.vector_store_idx %arg7[%add3A_60], %shift_left3A_32 : memref<10384xi32, #tpu.memory_space<vmem>>[vector<16xi32>], vector<16xi32>,
      %add3A_61 = arith.constant 112 : i32
      %add3A_62 = vector.broadcast %add3A_61 : i32 to vector<16xi32>
      %add3A_63 = arith.addi %scan3A_29, %add3A_62 : vector<16xi32>
      %add3A_64 = arith.addi %add3A_63, %iota3A : vector<16xi32>
      tpu.vector_store_idx %arg7[%add3A_64], %shift_left3A_32 : memref<10384xi32, #tpu.memory_space<vmem>>[vector<16xi32>], vector<16xi32>,
      %slice3A = vector.extract_strided_slice %scan3A_29 {offsets = [0], sizes = [1], strides = [1]} : vector<16xi32> to vector<1xi32>
      %squeeze3A = vector.extract %slice3A[0] : i32 from vector<1xi32>
      %add3A_65 = arith.constant 128 : i32
      %add3A_66 = arith.addi %squeeze3A, %add3A_65 : i32
      %sub3A = arith.constant 1 : i32
      %sub3A_67 = arith.subi %add3A_66, %sub3A : i32
      %shift_right_arithmetic3A = arith.constant 7 : i32
      %shift_right_arithmetic3A_68 = arith.shrsi %sub3A_67, %shift_right_arithmetic3A : i32
      %while3A = arith.constant 0 : i32
      %while3A_69 = arith.constant 0 : i32
      %while3A_70 = arith.subi %shift_right_arithmetic3A_68, %while3A : i32
      %while3A_71 = arith.addi %while3A, %while3A_70 : i32
      %while3A_72 = arith.constant 1 : i32
      %while3A_73 = arith.divsi %while3A_70, %while3A_72 : i32
      %while3A_74 = arith.muli %while3A_73, %while3A_72 : i32
      %while3A_75 = arith.addi %while3A, %while3A_74 : i32
      %while3A_76 = arith.constant 1 : i32
      %while3A_77 = scf.for %while3A_89 = %while3A to %while3A_75 step %while3A_76 iter_args(%while3A_90 = %while3A_69) -> (i32)  : i32 {
        %mul3A_91 = arith.constant 128 : i32
        %mul3A_92 = arith.muli %while3A_89, %mul3A_91 : i32
        %add3A_93 = arith.constant 0 : i32
        %add3A_94 = arith.addi %mul3A_92, %add3A_93 : i32
        %multiple_of3A_95 = tpu.assume_multiple %add3A_94, 16 : i32
        %get3A = arith.index_cast %multiple_of3A_95 : i32 to index
        %get3A_96 = tpu.vector_load %arg7[%get3A] {strides = array<i32>} : memref<10384xi32, #tpu.memory_space<vmem>>, vector<16xi32>,
        %and3A = arith.constant 262143 : i32
        %and3A_97 = vector.broadcast %and3A : i32 to vector<16xi32>
        %and3A_98 = arith.andi %get3A_96, %and3A_97 : vector<16xi32>
        %swap3A = arith.constant 0 : index
        %swap3A_99 = tpu.vector_load %arg8[%swap3A] {strides = array<i32>} : memref<128xi32, #tpu.memory_space<vmem>>, vector<16xi32>,
        tpu.vector_store %arg8[%swap3A], %and3A_98 {strides = array<i32>} : memref<128xi32, #tpu.memory_space<vmem>>, vector<16xi32>,
        %shift_right_arithmetic3A_100 = arith.constant 18 : i32
        %shift_right_arithmetic3A_101 = vector.broadcast %shift_right_arithmetic3A_100 : i32 to vector<16xi32>
        %shift_right_arithmetic3A_102 = arith.shrsi %get3A_96, %shift_right_arithmetic3A_101 : vector<16xi32>
        %and3A_103 = arith.constant 16383 : i32
        %and3A_104 = vector.broadcast %and3A_103 : i32 to vector<16xi32>
        %and3A_105 = arith.andi %shift_right_arithmetic3A_102, %and3A_104 : vector<16xi32>
        %swap3A_106 = arith.constant 0 : index
        %swap3A_107 = tpu.vector_load %arg9[%swap3A_106] {strides = array<i32>} : memref<128xi32, #tpu.memory_space<vmem>>, vector<16xi32>,
        tpu.vector_store %arg9[%swap3A_106], %and3A_105 {strides = array<i32>} : memref<128xi32, #tpu.memory_space<vmem>>, vector<16xi32>,
        %mul3A_108 = arith.constant 128 : i32
        %mul3A_109 = arith.muli %while3A_89, %mul3A_108 : i32
        %add3A_110 = arith.constant 16 : i32
        %add3A_111 = arith.addi %mul3A_109, %add3A_110 : i32
        %multiple_of3A_112 = tpu.assume_multiple %add3A_111, 16 : i32
        %get3A_113 = arith.index_cast %multiple_of3A_112 : i32 to index
        %get3A_114 = tpu.vector_load %arg7[%get3A_113] {strides = array<i32>} : memref<10384xi32, #tpu.memory_space<vmem>>, vector<16xi32>,
        %and3A_115 = arith.constant 262143 : i32
        %and3A_116 = vector.broadcast %and3A_115 : i32 to vector<16xi32>
        %and3A_117 = arith.andi %get3A_114, %and3A_116 : vector<16xi32>
        %swap3A_118 = arith.constant 16 : index
        %swap3A_119 = tpu.vector_load %arg8[%swap3A_118] {strides = array<i32>} : memref<128xi32, #tpu.memory_space<vmem>>, vector<16xi32>,
        tpu.vector_store %arg8[%swap3A_118], %and3A_117 {strides = array<i32>} : memref<128xi32, #tpu.memory_space<vmem>>, vector<16xi32>,
        %shift_right_arithmetic3A_120 = arith.constant 18 : i32
        %shift_right_arithmetic3A_121 = vector.broadcast %shift_right_arithmetic3A_120 : i32 to vector<16xi32>
        %shift_right_arithmetic3A_122 = arith.shrsi %get3A_114, %shift_right_arithmetic3A_121 : vector<16xi32>
        %and3A_123 = arith.constant 16383 : i32
        %and3A_124 = vector.broadcast %and3A_123 : i32 to vector<16xi32>
        %and3A_125 = arith.andi %shift_right_arithmetic3A_122, %and3A_124 : vector<16xi32>
        %swap3A_126 = arith.constant 16 : index
        %swap3A_127 = tpu.vector_load %arg9[%swap3A_126] {strides = array<i32>} : memref<128xi32, #tpu.memory_space<vmem>>, vector<16xi32>,
        tpu.vector_store %arg9[%swap3A_126], %and3A_125 {strides = array<i32>} : memref<128xi32, #tpu.memory_space<vmem>>, vector<16xi32>,
        %mul3A_128 = arith.constant 128 : i32
        %mul3A_129 = arith.muli %while3A_89, %mul3A_128 : i32
        %add3A_130 = arith.constant 32 : i32
        %add3A_131 = arith.addi %mul3A_129, %add3A_130 : i32
        %multiple_of3A_132 = tpu.assume_multiple %add3A_131, 16 : i32
        %get3A_133 = arith.index_cast %multiple_of3A_132 : i32 to index
        %get3A_134 = tpu.vector_load %arg7[%get3A_133] {strides = array<i32>} : memref<10384xi32, #tpu.memory_space<vmem>>, vector<16xi32>,
        %and3A_135 = arith.constant 262143 : i32
        %and3A_136 = vector.broadcast %and3A_135 : i32 to vector<16xi32>
        %and3A_137 = arith.andi %get3A_134, %and3A_136 : vector<16xi32>
        %swap3A_138 = arith.constant 32 : index
        %swap3A_139 = tpu.vector_load %arg8[%swap3A_138] {strides = array<i32>} : memref<128xi32, #tpu.memory_space<vmem>>, vector<16xi32>,
        tpu.vector_store %arg8[%swap3A_138], %and3A_137 {strides = array<i32>} : memref<128xi32, #tpu.memory_space<vmem>>, vector<16xi32>,
        %shift_right_arithmetic3A_140 = arith.constant 18 : i32
        %shift_right_arithmetic3A_141 = vector.broadcast %shift_right_arithmetic3A_140 : i32 to vector<16xi32>
        %shift_right_arithmetic3A_142 = arith.shrsi %get3A_134, %shift_right_arithmetic3A_141 : vector<16xi32>
        %and3A_143 = arith.constant 16383 : i32
        %and3A_144 = vector.broadcast %and3A_143 : i32 to vector<16xi32>
        %and3A_145 = arith.andi %shift_right_arithmetic3A_142, %and3A_144 : vector<16xi32>
        %swap3A_146 = arith.constant 32 : index
        %swap3A_147 = tpu.vector_load %arg9[%swap3A_146] {strides = array<i32>} : memref<128xi32, #tpu.memory_space<vmem>>, vector<16xi32>,
        tpu.vector_store %arg9[%swap3A_146], %and3A_145 {strides = array<i32>} : memref<128xi32, #tpu.memory_space<vmem>>, vector<16xi32>,
        %mul3A_148 = arith.constant 128 : i32
        %mul3A_149 = arith.muli %while3A_89, %mul3A_148 : i32
        %add3A_150 = arith.constant 48 : i32
        %add3A_151 = arith.addi %mul3A_149, %add3A_150 : i32
        %multiple_of3A_152 = tpu.assume_multiple %add3A_151, 16 : i32
        %get3A_153 = arith.index_cast %multiple_of3A_152 : i32 to index
        %get3A_154 = tpu.vector_load %arg7[%get3A_153] {strides = array<i32>} : memref<10384xi32, #tpu.memory_space<vmem>>, vector<16xi32>,
        %and3A_155 = arith.constant 262143 : i32
        %and3A_156 = vector.broadcast %and3A_155 : i32 to vector<16xi32>
        %and3A_157 = arith.andi %get3A_154, %and3A_156 : vector<16xi32>
        %swap3A_158 = arith.constant 48 : index
        %swap3A_159 = tpu.vector_load %arg8[%swap3A_158] {strides = array<i32>} : memref<128xi32, #tpu.memory_space<vmem>>, vector<16xi32>,
        tpu.vector_store %arg8[%swap3A_158], %and3A_157 {strides = array<i32>} : memref<128xi32, #tpu.memory_space<vmem>>, vector<16xi32>,
        %shift_right_arithmetic3A_160 = arith.constant 18 : i32
        %shift_right_arithmetic3A_161 = vector.broadcast %shift_right_arithmetic3A_160 : i32 to vector<16xi32>
        %shift_right_arithmetic3A_162 = arith.shrsi %get3A_154, %shift_right_arithmetic3A_161 : vector<16xi32>
        %and3A_163 = arith.constant 16383 : i32
        %and3A_164 = vector.broadcast %and3A_163 : i32 to vector<16xi32>
        %and3A_165 = arith.andi %shift_right_arithmetic3A_162, %and3A_164 : vector<16xi32>
        %swap3A_166 = arith.constant 48 : index
        %swap3A_167 = tpu.vector_load %arg9[%swap3A_166] {strides = array<i32>} : memref<128xi32, #tpu.memory_space<vmem>>, vector<16xi32>,
        tpu.vector_store %arg9[%swap3A_166], %and3A_165 {strides = array<i32>} : memref<128xi32, #tpu.memory_space<vmem>>, vector<16xi32>,
        %mul3A_168 = arith.constant 128 : i32
        %mul3A_169 = arith.muli %while3A_89, %mul3A_168 : i32
        %add3A_170 = arith.constant 64 : i32
        %add3A_171 = arith.addi %mul3A_169, %add3A_170 : i32
        %multiple_of3A_172 = tpu.assume_multiple %add3A_171, 16 : i32
        %get3A_173 = arith.index_cast %multiple_of3A_172 : i32 to index
        %get3A_174 = tpu.vector_load %arg7[%get3A_173] {strides = array<i32>} : memref<10384xi32, #tpu.memory_space<vmem>>, vector<16xi32>,
        %and3A_175 = arith.constant 262143 : i32
        %and3A_176 = vector.broadcast %and3A_175 : i32 to vector<16xi32>
        %and3A_177 = arith.andi %get3A_174, %and3A_176 : vector<16xi32>
        %swap3A_178 = arith.constant 64 : index
        %swap3A_179 = tpu.vector_load %arg8[%swap3A_178] {strides = array<i32>} : memref<128xi32, #tpu.memory_space<vmem>>, vector<16xi32>,
        tpu.vector_store %arg8[%swap3A_178], %and3A_177 {strides = array<i32>} : memref<128xi32, #tpu.memory_space<vmem>>, vector<16xi32>,
        %shift_right_arithmetic3A_180 = arith.constant 18 : i32
        %shift_right_arithmetic3A_181 = vector.broadcast %shift_right_arithmetic3A_180 : i32 to vector<16xi32>
        %shift_right_arithmetic3A_182 = arith.shrsi %get3A_174, %shift_right_arithmetic3A_181 : vector<16xi32>
        %and3A_183 = arith.constant 16383 : i32
        %and3A_184 = vector.broadcast %and3A_183 : i32 to vector<16xi32>
        %and3A_185 = arith.andi %shift_right_arithmetic3A_182, %and3A_184 : vector<16xi32>
        %swap3A_186 = arith.constant 64 : index
        %swap3A_187 = tpu.vector_load %arg9[%swap3A_186] {strides = array<i32>} : memref<128xi32, #tpu.memory_space<vmem>>, vector<16xi32>,
        tpu.vector_store %arg9[%swap3A_186], %and3A_185 {strides = array<i32>} : memref<128xi32, #tpu.memory_space<vmem>>, vector<16xi32>,
        %mul3A_188 = arith.constant 128 : i32
        %mul3A_189 = arith.muli %while3A_89, %mul3A_188 : i32
        %add3A_190 = arith.constant 80 : i32
        %add3A_191 = arith.addi %mul3A_189, %add3A_190 : i32
        %multiple_of3A_192 = tpu.assume_multiple %add3A_191, 16 : i32
        %get3A_193 = arith.index_cast %multiple_of3A_192 : i32 to index
        %get3A_194 = tpu.vector_load %arg7[%get3A_193] {strides = array<i32>} : memref<10384xi32, #tpu.memory_space<vmem>>, vector<16xi32>,
        %and3A_195 = arith.constant 262143 : i32
        %and3A_196 = vector.broadcast %and3A_195 : i32 to vector<16xi32>
        %and3A_197 = arith.andi %get3A_194, %and3A_196 : vector<16xi32>
        %swap3A_198 = arith.constant 80 : index
        %swap3A_199 = tpu.vector_load %arg8[%swap3A_198] {strides = array<i32>} : memref<128xi32, #tpu.memory_space<vmem>>, vector<16xi32>,
        tpu.vector_store %arg8[%swap3A_198], %and3A_197 {strides = array<i32>} : memref<128xi32, #tpu.memory_space<vmem>>, vector<16xi32>,
        %shift_right_arithmetic3A_200 = arith.constant 18 : i32
        %shift_right_arithmetic3A_201 = vector.broadcast %shift_right_arithmetic3A_200 : i32 to vector<16xi32>
        %shift_right_arithmetic3A_202 = arith.shrsi %get3A_194, %shift_right_arithmetic3A_201 : vector<16xi32>
        %and3A_203 = arith.constant 16383 : i32
        %and3A_204 = vector.broadcast %and3A_203 : i32 to vector<16xi32>
        %and3A_205 = arith.andi %shift_right_arithmetic3A_202, %and3A_204 : vector<16xi32>
        %swap3A_206 = arith.constant 80 : index
        %swap3A_207 = tpu.vector_load %arg9[%swap3A_206] {strides = array<i32>} : memref<128xi32, #tpu.memory_space<vmem>>, vector<16xi32>,
        tpu.vector_store %arg9[%swap3A_206], %and3A_205 {strides = array<i32>} : memref<128xi32, #tpu.memory_space<vmem>>, vector<16xi32>,
        %mul3A_208 = arith.constant 128 : i32
        %mul3A_209 = arith.muli %while3A_89, %mul3A_208 : i32
        %add3A_210 = arith.constant 96 : i32
        %add3A_211 = arith.addi %mul3A_209, %add3A_210 : i32
        %multiple_of3A_212 = tpu.assume_multiple %add3A_211, 16 : i32
        %get3A_213 = arith.index_cast %multiple_of3A_212 : i32 to index
        %get3A_214 = tpu.vector_load %arg7[%get3A_213] {strides = array<i32>} : memref<10384xi32, #tpu.memory_space<vmem>>, vector<16xi32>,
        %and3A_215 = arith.constant 262143 : i32
        %and3A_216 = vector.broadcast %and3A_215 : i32 to vector<16xi32>
        %and3A_217 = arith.andi %get3A_214, %and3A_216 : vector<16xi32>
        %swap3A_218 = arith.constant 96 : index
        %swap3A_219 = tpu.vector_load %arg8[%swap3A_218] {strides = array<i32>} : memref<128xi32, #tpu.memory_space<vmem>>, vector<16xi32>,
        tpu.vector_store %arg8[%swap3A_218], %and3A_217 {strides = array<i32>} : memref<128xi32, #tpu.memory_space<vmem>>, vector<16xi32>,
        %shift_right_arithmetic3A_220 = arith.constant 18 : i32
        %shift_right_arithmetic3A_221 = vector.broadcast %shift_right_arithmetic3A_220 : i32 to vector<16xi32>
        %shift_right_arithmetic3A_222 = arith.shrsi %get3A_214, %shift_right_arithmetic3A_221 : vector<16xi32>
        %and3A_223 = arith.constant 16383 : i32
        %and3A_224 = vector.broadcast %and3A_223 : i32 to vector<16xi32>
        %and3A_225 = arith.andi %shift_right_arithmetic3A_222, %and3A_224 : vector<16xi32>
        %swap3A_226 = arith.constant 96 : index
        %swap3A_227 = tpu.vector_load %arg9[%swap3A_226] {strides = array<i32>} : memref<128xi32, #tpu.memory_space<vmem>>, vector<16xi32>,
        tpu.vector_store %arg9[%swap3A_226], %and3A_225 {strides = array<i32>} : memref<128xi32, #tpu.memory_space<vmem>>, vector<16xi32>,
        %mul3A_228 = arith.constant 128 : i32
        %mul3A_229 = arith.muli %while3A_89, %mul3A_228 : i32
        %add3A_230 = arith.constant 112 : i32
        %add3A_231 = arith.addi %mul3A_229, %add3A_230 : i32
        %multiple_of3A_232 = tpu.assume_multiple %add3A_231, 16 : i32
        %get3A_233 = arith.index_cast %multiple_of3A_232 : i32 to index
        %get3A_234 = tpu.vector_load %arg7[%get3A_233] {strides = array<i32>} : memref<10384xi32, #tpu.memory_space<vmem>>, vector<16xi32>,
        %and3A_235 = arith.constant 262143 : i32
        %and3A_236 = vector.broadcast %and3A_235 : i32 to vector<16xi32>
        %and3A_237 = arith.andi %get3A_234, %and3A_236 : vector<16xi32>
        %swap3A_238 = arith.constant 112 : index
        %swap3A_239 = tpu.vector_load %arg8[%swap3A_238] {strides = array<i32>} : memref<128xi32, #tpu.memory_space<vmem>>, vector<16xi32>,
        tpu.vector_store %arg8[%swap3A_238], %and3A_237 {strides = array<i32>} : memref<128xi32, #tpu.memory_space<vmem>>, vector<16xi32>,
        %shift_right_arithmetic3A_240 = arith.constant 18 : i32
        %shift_right_arithmetic3A_241 = vector.broadcast %shift_right_arithmetic3A_240 : i32 to vector<16xi32>
        %shift_right_arithmetic3A_242 = arith.shrsi %get3A_234, %shift_right_arithmetic3A_241 : vector<16xi32>
        %and3A_243 = arith.constant 16383 : i32
        %and3A_244 = vector.broadcast %and3A_243 : i32 to vector<16xi32>
        %and3A_245 = arith.andi %shift_right_arithmetic3A_242, %and3A_244 : vector<16xi32>
        %swap3A_246 = arith.constant 112 : index
        %swap3A_247 = tpu.vector_load %arg9[%swap3A_246] {strides = array<i32>} : memref<128xi32, #tpu.memory_space<vmem>>, vector<16xi32>,
        tpu.vector_store %arg9[%swap3A_246], %and3A_245 {strides = array<i32>} : memref<128xi32, #tpu.memory_space<vmem>>, vector<16xi32>,
        %dma_start3A = arith.constant 0 : i32
        %dma_start3A_248 = arith.constant 0 : i32
        %dma_start3A_249 = tpu.memref_slice %arg2[%dma_start3A, %dma_start3A_248] : memref<163840x128xf32, #tpu.memory_space<hbm>> -> memref<163840x128xf32, #tpu.memory_space<hbm>>
        tpu.enqueue_indirect_dma source(%dma_start3A_249 : memref<163840x128xf32, #tpu.memory_space<hbm>>) target(%arg10 : memref<128x128xf32, #tpu.memory_space<vmem>>) offsets(%arg8 : memref<128xi32, #tpu.memory_space<vmem>>) semaphore(%arg12 : memref<!tpu.dma_semaphore, #tpu.memory_space<semaphore_mem>>)
        %dma_wait3A = arith.constant 0 : i32
        %dma_wait3A_250 = arith.constant 0 : i32
        %dma_wait3A_251 = tpu.memref_slice %arg2[%dma_wait3A, %dma_wait3A_250] : memref<163840x128xf32, #tpu.memory_space<hbm>> -> memref<163840x128xf32, #tpu.memory_space<hbm>>
        tpu.wait_indirect_dma semaphore(%arg12 : memref<!tpu.dma_semaphore, #tpu.memory_space<semaphore_mem>>) src(%dma_wait3A_251 : memref<163840x128xf32, #tpu.memory_space<hbm>>) dst(%arg10 : memref<128x128xf32, #tpu.memory_space<vmem>>)
        "tpu.region"() ({
          %run_scoped3A = tpu.sem_alloc : memref<!tpu.dma_semaphore, #tpu.memory_space<semaphore_mem>>
          %dma_start3A_253 = arith.constant 0 : i32
          %dma_start3A_254 = arith.constant 0 : i32
          %dma_start3A_255 = tpu.memref_slice %arg11[%dma_start3A_253, %dma_start3A_254] : memref<12672x128xf32, #tpu.memory_space<vmem_shared>> -> memref<12672x128xf32, #tpu.memory_space<vmem_shared>>
          tpu.enqueue_indirect_dma source(%arg10 : memref<128x128xf32, #tpu.memory_space<vmem>>) target(%dma_start3A_255 : memref<12672x128xf32, #tpu.memory_space<vmem_shared>>) offsets(%arg9 : memref<128xi32, #tpu.memory_space<vmem>>) semaphore(%run_scoped3A : memref<!tpu.dma_semaphore, #tpu.memory_space<semaphore_mem>>) {add = true}
          %dma_wait3A_256 = arith.constant 0 : i32
          %dma_wait3A_257 = arith.constant 0 : i32
          %dma_wait3A_258 = tpu.memref_slice %arg11[%dma_wait3A_256, %dma_wait3A_257] : memref<12672x128xf32, #tpu.memory_space<vmem_shared>> -> memref<12672x128xf32, #tpu.memory_space<vmem_shared>>
          tpu.wait_indirect_dma semaphore(%run_scoped3A : memref<!tpu.dma_semaphore, #tpu.memory_space<semaphore_mem>>) src(%arg10 : memref<128x128xf32, #tpu.memory_space<vmem>>) dst(%dma_wait3A_258 : memref<12672x128xf32, #tpu.memory_space<vmem_shared>>)
          tpu.yield
        }) : () -> ()
        %while3A_252 = arith.constant 0 : i32
        scf.yield %while3A_252 : i32
      }
      %while3A_78 = arith.constant 1 : i32
      %while3A_79 = scf.for %while3A_89 = %while3A_75 to %while3A_71 step %while3A_78 iter_args(%while3A_90 = %while3A_77) -> (i32)  : i32 {
        %mul3A_91 = arith.constant 128 : i32
        %mul3A_92 = arith.muli %while3A_89, %mul3A_91 : i32
        %add3A_93 = arith.constant 0 : i32
        %add3A_94 = arith.addi %mul3A_92, %add3A_93 : i32
        %multiple_of3A_95 = tpu.assume_multiple %add3A_94, 16 : i32
        %get3A = arith.index_cast %multiple_of3A_95 : i32 to index
        %get3A_96 = tpu.vector_load %arg7[%get3A] {strides = array<i32>} : memref<10384xi32, #tpu.memory_space<vmem>>, vector<16xi32>,
        %and3A = arith.constant 262143 : i32
        %and3A_97 = vector.broadcast %and3A : i32 to vector<16xi32>
        %and3A_98 = arith.andi %get3A_96, %and3A_97 : vector<16xi32>
        %swap3A = arith.constant 0 : index
        %swap3A_99 = tpu.vector_load %arg8[%swap3A] {strides = array<i32>} : memref<128xi32, #tpu.memory_space<vmem>>, vector<16xi32>,
        tpu.vector_store %arg8[%swap3A], %and3A_98 {strides = array<i32>} : memref<128xi32, #tpu.memory_space<vmem>>, vector<16xi32>,
        %shift_right_arithmetic3A_100 = arith.constant 18 : i32
        %shift_right_arithmetic3A_101 = vector.broadcast %shift_right_arithmetic3A_100 : i32 to vector<16xi32>
        %shift_right_arithmetic3A_102 = arith.shrsi %get3A_96, %shift_right_arithmetic3A_101 : vector<16xi32>
        %and3A_103 = arith.constant 16383 : i32
        %and3A_104 = vector.broadcast %and3A_103 : i32 to vector<16xi32>
        %and3A_105 = arith.andi %shift_right_arithmetic3A_102, %and3A_104 : vector<16xi32>
        %swap3A_106 = arith.constant 0 : index
        %swap3A_107 = tpu.vector_load %arg9[%swap3A_106] {strides = array<i32>} : memref<128xi32, #tpu.memory_space<vmem>>, vector<16xi32>,
        tpu.vector_store %arg9[%swap3A_106], %and3A_105 {strides = array<i32>} : memref<128xi32, #tpu.memory_space<vmem>>, vector<16xi32>,
        %mul3A_108 = arith.constant 128 : i32
        %mul3A_109 = arith.muli %while3A_89, %mul3A_108 : i32
        %add3A_110 = arith.constant 16 : i32
        %add3A_111 = arith.addi %mul3A_109, %add3A_110 : i32
        %multiple_of3A_112 = tpu.assume_multiple %add3A_111, 16 : i32
        %get3A_113 = arith.index_cast %multiple_of3A_112 : i32 to index
        %get3A_114 = tpu.vector_load %arg7[%get3A_113] {strides = array<i32>} : memref<10384xi32, #tpu.memory_space<vmem>>, vector<16xi32>,
        %and3A_115 = arith.constant 262143 : i32
        %and3A_116 = vector.broadcast %and3A_115 : i32 to vector<16xi32>
        %and3A_117 = arith.andi %get3A_114, %and3A_116 : vector<16xi32>
        %swap3A_118 = arith.constant 16 : index
        %swap3A_119 = tpu.vector_load %arg8[%swap3A_118] {strides = array<i32>} : memref<128xi32, #tpu.memory_space<vmem>>, vector<16xi32>,
        tpu.vector_store %arg8[%swap3A_118], %and3A_117 {strides = array<i32>} : memref<128xi32, #tpu.memory_space<vmem>>, vector<16xi32>,
        %shift_right_arithmetic3A_120 = arith.constant 18 : i32
        %shift_right_arithmetic3A_121 = vector.broadcast %shift_right_arithmetic3A_120 : i32 to vector<16xi32>
        %shift_right_arithmetic3A_122 = arith.shrsi %get3A_114, %shift_right_arithmetic3A_121 : vector<16xi32>
        %and3A_123 = arith.constant 16383 : i32
        %and3A_124 = vector.broadcast %and3A_123 : i32 to vector<16xi32>
        %and3A_125 = arith.andi %shift_right_arithmetic3A_122, %and3A_124 : vector<16xi32>
        %swap3A_126 = arith.constant 16 : index
        %swap3A_127 = tpu.vector_load %arg9[%swap3A_126] {strides = array<i32>} : memref<128xi32, #tpu.memory_space<vmem>>, vector<16xi32>,
        tpu.vector_store %arg9[%swap3A_126], %and3A_125 {strides = array<i32>} : memref<128xi32, #tpu.memory_space<vmem>>, vector<16xi32>,
        %mul3A_128 = arith.constant 128 : i32
        %mul3A_129 = arith.muli %while3A_89, %mul3A_128 : i32
        %add3A_130 = arith.constant 32 : i32
        %add3A_131 = arith.addi %mul3A_129, %add3A_130 : i32
        %multiple_of3A_132 = tpu.assume_multiple %add3A_131, 16 : i32
        %get3A_133 = arith.index_cast %multiple_of3A_132 : i32 to index
        %get3A_134 = tpu.vector_load %arg7[%get3A_133] {strides = array<i32>} : memref<10384xi32, #tpu.memory_space<vmem>>, vector<16xi32>,
        %and3A_135 = arith.constant 262143 : i32
        %and3A_136 = vector.broadcast %and3A_135 : i32 to vector<16xi32>
        %and3A_137 = arith.andi %get3A_134, %and3A_136 : vector<16xi32>
        %swap3A_138 = arith.constant 32 : index
        %swap3A_139 = tpu.vector_load %arg8[%swap3A_138] {strides = array<i32>} : memref<128xi32, #tpu.memory_space<vmem>>, vector<16xi32>,
        tpu.vector_store %arg8[%swap3A_138], %and3A_137 {strides = array<i32>} : memref<128xi32, #tpu.memory_space<vmem>>, vector<16xi32>,
        %shift_right_arithmetic3A_140 = arith.constant 18 : i32
        %shift_right_arithmetic3A_141 = vector.broadcast %shift_right_arithmetic3A_140 : i32 to vector<16xi32>
        %shift_right_arithmetic3A_142 = arith.shrsi %get3A_134, %shift_right_arithmetic3A_141 : vector<16xi32>
        %and3A_143 = arith.constant 16383 : i32
        %and3A_144 = vector.broadcast %and3A_143 : i32 to vector<16xi32>
        %and3A_145 = arith.andi %shift_right_arithmetic3A_142, %and3A_144 : vector<16xi32>
        %swap3A_146 = arith.constant 32 : index
        %swap3A_147 = tpu.vector_load %arg9[%swap3A_146] {strides = array<i32>} : memref<128xi32, #tpu.memory_space<vmem>>, vector<16xi32>,
        tpu.vector_store %arg9[%swap3A_146], %and3A_145 {strides = array<i32>} : memref<128xi32, #tpu.memory_space<vmem>>, vector<16xi32>,
        %mul3A_148 = arith.constant 128 : i32
        %mul3A_149 = arith.muli %while3A_89, %mul3A_148 : i32
        %add3A_150 = arith.constant 48 : i32
        %add3A_151 = arith.addi %mul3A_149, %add3A_150 : i32
        %multiple_of3A_152 = tpu.assume_multiple %add3A_151, 16 : i32
        %get3A_153 = arith.index_cast %multiple_of3A_152 : i32 to index
        %get3A_154 = tpu.vector_load %arg7[%get3A_153] {strides = array<i32>} : memref<10384xi32, #tpu.memory_space<vmem>>, vector<16xi32>,
        %and3A_155 = arith.constant 262143 : i32
        %and3A_156 = vector.broadcast %and3A_155 : i32 to vector<16xi32>
        %and3A_157 = arith.andi %get3A_154, %and3A_156 : vector<16xi32>
        %swap3A_158 = arith.constant 48 : index
        %swap3A_159 = tpu.vector_load %arg8[%swap3A_158] {strides = array<i32>} : memref<128xi32, #tpu.memory_space<vmem>>, vector<16xi32>,
        tpu.vector_store %arg8[%swap3A_158], %and3A_157 {strides = array<i32>} : memref<128xi32, #tpu.memory_space<vmem>>, vector<16xi32>,
        %shift_right_arithmetic3A_160 = arith.constant 18 : i32
        %shift_right_arithmetic3A_161 = vector.broadcast %shift_right_arithmetic3A_160 : i32 to vector<16xi32>
        %shift_right_arithmetic3A_162 = arith.shrsi %get3A_154, %shift_right_arithmetic3A_161 : vector<16xi32>
        %and3A_163 = arith.constant 16383 : i32
        %and3A_164 = vector.broadcast %and3A_163 : i32 to vector<16xi32>
        %and3A_165 = arith.andi %shift_right_arithmetic3A_162, %and3A_164 : vector<16xi32>
        %swap3A_166 = arith.constant 48 : index
        %swap3A_167 = tpu.vector_load %arg9[%swap3A_166] {strides = array<i32>} : memref<128xi32, #tpu.memory_space<vmem>>, vector<16xi32>,
        tpu.vector_store %arg9[%swap3A_166], %and3A_165 {strides = array<i32>} : memref<128xi32, #tpu.memory_space<vmem>>, vector<16xi32>,
        %mul3A_168 = arith.constant 128 : i32
        %mul3A_169 = arith.muli %while3A_89, %mul3A_168 : i32
        %add3A_170 = arith.constant 64 : i32
        %add3A_171 = arith.addi %mul3A_169, %add3A_170 : i32
        %multiple_of3A_172 = tpu.assume_multiple %add3A_171, 16 : i32
        %get3A_173 = arith.index_cast %multiple_of3A_172 : i32 to index
        %get3A_174 = tpu.vector_load %arg7[%get3A_173] {strides = array<i32>} : memref<10384xi32, #tpu.memory_space<vmem>>, vector<16xi32>,
        %and3A_175 = arith.constant 262143 : i32
        %and3A_176 = vector.broadcast %and3A_175 : i32 to vector<16xi32>
        %and3A_177 = arith.andi %get3A_174, %and3A_176 : vector<16xi32>
        %swap3A_178 = arith.constant 64 : index
        %swap3A_179 = tpu.vector_load %arg8[%swap3A_178] {strides = array<i32>} : memref<128xi32, #tpu.memory_space<vmem>>, vector<16xi32>,
        tpu.vector_store %arg8[%swap3A_178], %and3A_177 {strides = array<i32>} : memref<128xi32, #tpu.memory_space<vmem>>, vector<16xi32>,
        %shift_right_arithmetic3A_180 = arith.constant 18 : i32
        %shift_right_arithmetic3A_181 = vector.broadcast %shift_right_arithmetic3A_180 : i32 to vector<16xi32>
        %shift_right_arithmetic3A_182 = arith.shrsi %get3A_174, %shift_right_arithmetic3A_181 : vector<16xi32>
        %and3A_183 = arith.constant 16383 : i32
        %and3A_184 = vector.broadcast %and3A_183 : i32 to vector<16xi32>
        %and3A_185 = arith.andi %shift_right_arithmetic3A_182, %and3A_184 : vector<16xi32>
        %swap3A_186 = arith.constant 64 : index
        %swap3A_187 = tpu.vector_load %arg9[%swap3A_186] {strides = array<i32>} : memref<128xi32, #tpu.memory_space<vmem>>, vector<16xi32>,
        tpu.vector_store %arg9[%swap3A_186], %and3A_185 {strides = array<i32>} : memref<128xi32, #tpu.memory_space<vmem>>, vector<16xi32>,
        %mul3A_188 = arith.constant 128 : i32
        %mul3A_189 = arith.muli %while3A_89, %mul3A_188 : i32
        %add3A_190 = arith.constant 80 : i32
        %add3A_191 = arith.addi %mul3A_189, %add3A_190 : i32
        %multiple_of3A_192 = tpu.assume_multiple %add3A_191, 16 : i32
        %get3A_193 = arith.index_cast %multiple_of3A_192 : i32 to index
        %get3A_194 = tpu.vector_load %arg7[%get3A_193] {strides = array<i32>} : memref<10384xi32, #tpu.memory_space<vmem>>, vector<16xi32>,
        %and3A_195 = arith.constant 262143 : i32
        %and3A_196 = vector.broadcast %and3A_195 : i32 to vector<16xi32>
        %and3A_197 = arith.andi %get3A_194, %and3A_196 : vector<16xi32>
        %swap3A_198 = arith.constant 80 : index
        %swap3A_199 = tpu.vector_load %arg8[%swap3A_198] {strides = array<i32>} : memref<128xi32, #tpu.memory_space<vmem>>, vector<16xi32>,
        tpu.vector_store %arg8[%swap3A_198], %and3A_197 {strides = array<i32>} : memref<128xi32, #tpu.memory_space<vmem>>, vector<16xi32>,
        %shift_right_arithmetic3A_200 = arith.constant 18 : i32
        %shift_right_arithmetic3A_201 = vector.broadcast %shift_right_arithmetic3A_200 : i32 to vector<16xi32>
        %shift_right_arithmetic3A_202 = arith.shrsi %get3A_194, %shift_right_arithmetic3A_201 : vector<16xi32>
        %and3A_203 = arith.constant 16383 : i32
        %and3A_204 = vector.broadcast %and3A_203 : i32 to vector<16xi32>
        %and3A_205 = arith.andi %shift_right_arithmetic3A_202, %and3A_204 : vector<16xi32>
        %swap3A_206 = arith.constant 80 : index
        %swap3A_207 = tpu.vector_load %arg9[%swap3A_206] {strides = array<i32>} : memref<128xi32, #tpu.memory_space<vmem>>, vector<16xi32>,
        tpu.vector_store %arg9[%swap3A_206], %and3A_205 {strides = array<i32>} : memref<128xi32, #tpu.memory_space<vmem>>, vector<16xi32>,
        %mul3A_208 = arith.constant 128 : i32
        %mul3A_209 = arith.muli %while3A_89, %mul3A_208 : i32
        %add3A_210 = arith.constant 96 : i32
        %add3A_211 = arith.addi %mul3A_209, %add3A_210 : i32
        %multiple_of3A_212 = tpu.assume_multiple %add3A_211, 16 : i32
        %get3A_213 = arith.index_cast %multiple_of3A_212 : i32 to index
        %get3A_214 = tpu.vector_load %arg7[%get3A_213] {strides = array<i32>} : memref<10384xi32, #tpu.memory_space<vmem>>, vector<16xi32>,
        %and3A_215 = arith.constant 262143 : i32
        %and3A_216 = vector.broadcast %and3A_215 : i32 to vector<16xi32>
        %and3A_217 = arith.andi %get3A_214, %and3A_216 : vector<16xi32>
        %swap3A_218 = arith.constant 96 : index
        %swap3A_219 = tpu.vector_load %arg8[%swap3A_218] {strides = array<i32>} : memref<128xi32, #tpu.memory_space<vmem>>, vector<16xi32>,
        tpu.vector_store %arg8[%swap3A_218], %and3A_217 {strides = array<i32>} : memref<128xi32, #tpu.memory_space<vmem>>, vector<16xi32>,
        %shift_right_arithmetic3A_220 = arith.constant 18 : i32
        %shift_right_arithmetic3A_221 = vector.broadcast %shift_right_arithmetic3A_220 : i32 to vector<16xi32>
        %shift_right_arithmetic3A_222 = arith.shrsi %get3A_214, %shift_right_arithmetic3A_221 : vector<16xi32>
        %and3A_223 = arith.constant 16383 : i32
        %and3A_224 = vector.broadcast %and3A_223 : i32 to vector<16xi32>
        %and3A_225 = arith.andi %shift_right_arithmetic3A_222, %and3A_224 : vector<16xi32>
        %swap3A_226 = arith.constant 96 : index
        %swap3A_227 = tpu.vector_load %arg9[%swap3A_226] {strides = array<i32>} : memref<128xi32, #tpu.memory_space<vmem>>, vector<16xi32>,
        tpu.vector_store %arg9[%swap3A_226], %and3A_225 {strides = array<i32>} : memref<128xi32, #tpu.memory_space<vmem>>, vector<16xi32>,
        %mul3A_228 = arith.constant 128 : i32
        %mul3A_229 = arith.muli %while3A_89, %mul3A_228 : i32
        %add3A_230 = arith.constant 112 : i32
        %add3A_231 = arith.addi %mul3A_229, %add3A_230 : i32
        %multiple_of3A_232 = tpu.assume_multiple %add3A_231, 16 : i32
        %get3A_233 = arith.index_cast %multiple_of3A_232 : i32 to index
        %get3A_234 = tpu.vector_load %arg7[%get3A_233] {strides = array<i32>} : memref<10384xi32, #tpu.memory_space<vmem>>, vector<16xi32>,
        %and3A_235 = arith.constant 262143 : i32
        %and3A_236 = vector.broadcast %and3A_235 : i32 to vector<16xi32>
        %and3A_237 = arith.andi %get3A_234, %and3A_236 : vector<16xi32>
        %swap3A_238 = arith.constant 112 : index
        %swap3A_239 = tpu.vector_load %arg8[%swap3A_238] {strides = array<i32>} : memref<128xi32, #tpu.memory_space<vmem>>, vector<16xi32>,
        tpu.vector_store %arg8[%swap3A_238], %and3A_237 {strides = array<i32>} : memref<128xi32, #tpu.memory_space<vmem>>, vector<16xi32>,
        %shift_right_arithmetic3A_240 = arith.constant 18 : i32
        %shift_right_arithmetic3A_241 = vector.broadcast %shift_right_arithmetic3A_240 : i32 to vector<16xi32>
        %shift_right_arithmetic3A_242 = arith.shrsi %get3A_234, %shift_right_arithmetic3A_241 : vector<16xi32>
        %and3A_243 = arith.constant 16383 : i32
        %and3A_244 = vector.broadcast %and3A_243 : i32 to vector<16xi32>
        %and3A_245 = arith.andi %shift_right_arithmetic3A_242, %and3A_244 : vector<16xi32>
        %swap3A_246 = arith.constant 112 : index
        %swap3A_247 = tpu.vector_load %arg9[%swap3A_246] {strides = array<i32>} : memref<128xi32, #tpu.memory_space<vmem>>, vector<16xi32>,
        tpu.vector_store %arg9[%swap3A_246], %and3A_245 {strides = array<i32>} : memref<128xi32, #tpu.memory_space<vmem>>, vector<16xi32>,
        %dma_start3A = arith.constant 0 : i32
        %dma_start3A_248 = arith.constant 0 : i32
        %dma_start3A_249 = tpu.memref_slice %arg2[%dma_start3A, %dma_start3A_248] : memref<163840x128xf32, #tpu.memory_space<hbm>> -> memref<163840x128xf32, #tpu.memory_space<hbm>>
        tpu.enqueue_indirect_dma source(%dma_start3A_249 : memref<163840x128xf32, #tpu.memory_space<hbm>>) target(%arg10 : memref<128x128xf32, #tpu.memory_space<vmem>>) offsets(%arg8 : memref<128xi32, #tpu.memory_space<vmem>>) semaphore(%arg12 : memref<!tpu.dma_semaphore, #tpu.memory_space<semaphore_mem>>)
        %dma_wait3A = arith.constant 0 : i32
        %dma_wait3A_250 = arith.constant 0 : i32
        %dma_wait3A_251 = tpu.memref_slice %arg2[%dma_wait3A, %dma_wait3A_250] : memref<163840x128xf32, #tpu.memory_space<hbm>> -> memref<163840x128xf32, #tpu.memory_space<hbm>>
        tpu.wait_indirect_dma semaphore(%arg12 : memref<!tpu.dma_semaphore, #tpu.memory_space<semaphore_mem>>) src(%dma_wait3A_251 : memref<163840x128xf32, #tpu.memory_space<hbm>>) dst(%arg10 : memref<128x128xf32, #tpu.memory_space<vmem>>)
        "tpu.region"() ({
          %run_scoped3A = tpu.sem_alloc : memref<!tpu.dma_semaphore, #tpu.memory_space<semaphore_mem>>
          %dma_start3A_253 = arith.constant 0 : i32
          %dma_start3A_254 = arith.constant 0 : i32
          %dma_start3A_255 = tpu.memref_slice %arg11[%dma_start3A_253, %dma_start3A_254] : memref<12672x128xf32, #tpu.memory_space<vmem_shared>> -> memref<12672x128xf32, #tpu.memory_space<vmem_shared>>
          tpu.enqueue_indirect_dma source(%arg10 : memref<128x128xf32, #tpu.memory_space<vmem>>) target(%dma_start3A_255 : memref<12672x128xf32, #tpu.memory_space<vmem_shared>>) offsets(%arg9 : memref<128xi32, #tpu.memory_space<vmem>>) semaphore(%run_scoped3A : memref<!tpu.dma_semaphore, #tpu.memory_space<semaphore_mem>>) {add = true}
          %dma_wait3A_256 = arith.constant 0 : i32
          %dma_wait3A_257 = arith.constant 0 : i32
          %dma_wait3A_258 = tpu.memref_slice %arg11[%dma_wait3A_256, %dma_wait3A_257] : memref<12672x128xf32, #tpu.memory_space<vmem_shared>> -> memref<12672x128xf32, #tpu.memory_space<vmem_shared>>
          tpu.wait_indirect_dma semaphore(%run_scoped3A : memref<!tpu.dma_semaphore, #tpu.memory_space<semaphore_mem>>) src(%arg10 : memref<128x128xf32, #tpu.memory_space<vmem>>) dst(%dma_wait3A_258 : memref<12672x128xf32, #tpu.memory_space<vmem_shared>>)
          tpu.yield
        }) : () -> ()
        %while3A_252 = arith.constant 0 : i32
        scf.yield %while3A_252 : i32
      }
      %barrier3A_80 = arith.constant 0 : index
      tpu.barrier barrier_id(%barrier3A_80)
      %mul3A_81 = arith.constant 776 : i32
      %mul3A_82 = arith.muli %arg1, %mul3A_81 : i32
      %multiple_of3A_83 = tpu.assume_multiple %mul3A_82, 8 : i32
      %mul3A_84 = arith.constant 776 : i32
      %mul3A_85 = arith.muli %arg1, %mul3A_84 : i32
      %add3A_86 = arith.addi %mul3A_18, %mul3A_85 : i32
      "tpu.region"() ({
        %run_scoped3A = tpu.sem_alloc : memref<!tpu.dma_semaphore, #tpu.memory_space<semaphore_mem>>
        %dma_start3A = arith.constant 0 : i32
        %dma_start3A_89 = tpu.memref_slice %arg5[%add3A_86, %dma_start3A] : memref<173824x128xf32, #tpu.memory_space<hbm>> -> memref<776x128xf32, #tpu.memory_space<hbm>>
        %dma_start3A_90 = arith.constant 0 : i32
        %dma_start3A_91 = tpu.memref_slice %arg11[%multiple_of3A_83, %dma_start3A_90] : memref<12672x128xf32, #tpu.memory_space<vmem_shared>> -> memref<776x128xf32, #tpu.memory_space<vmem_shared>>
        tpu.enqueue_dma source(%dma_start3A_91 : memref<776x128xf32, #tpu.memory_space<vmem_shared>>) target(%dma_start3A_89 : memref<776x128xf32, #tpu.memory_space<hbm>>) target_semaphore(%run_scoped3A : memref<!tpu.dma_semaphore, #tpu.memory_space<semaphore_mem>>)
        %dma_wait3A = arith.constant 0 : i32
        %dma_wait3A_92 = tpu.memref_slice %arg5[%add3A_86, %dma_wait3A] : memref<173824x128xf32, #tpu.memory_space<hbm>> -> memref<776x128xf32, #tpu.memory_space<hbm>>
        %dma_wait3A_93 = arith.constant 0 : i32
        %dma_wait3A_94 = tpu.memref_slice %arg11[%multiple_of3A_83, %dma_wait3A_93] : memref<12672x128xf32, #tpu.memory_space<vmem_shared>> -> memref<776x128xf32, #tpu.memory_space<vmem_shared>>
        tpu.wait_dma2 semaphore(%run_scoped3A : memref<!tpu.dma_semaphore, #tpu.memory_space<semaphore_mem>>) src(%dma_wait3A_94 : memref<776x128xf32, #tpu.memory_space<vmem_shared>>) dst(%dma_wait3A_92 : memref<776x128xf32, #tpu.memory_space<hbm>>)
        tpu.yield
      }) : () -> ()
      %barrier3A_87 = arith.constant 0 : index
      tpu.barrier barrier_id(%barrier3A_87)
      %scan3A_88 = arith.constant 0 : i32
      scf.yield %scan3A_88 : i32
    }
    %scan3A_11 = arith.constant 7 : i32
    return
  }
}

#map = affine_map<(d0, d1) -> (0, 0)>
#map1 = affine_map<(d0, d1) -> (0)>
module attributes {stable_mosaic.version = 14 : i64} {
  func.func @gather_k(%arg0: i32, %arg1: i32, %arg2: memref<160000x128xf32, #tpu.memory_space<hbm>>, %arg3: memref<163840xi32, #tpu.memory_space<hbm>>, %arg4: memref<163840x128xf32, #tpu.memory_space<hbm>>, %arg5: memref<256xi32, #tpu.memory_space<vmem>>, %arg6: memref<2x128x128xf32, #tpu.memory_space<vmem>>, %arg7: memref<!tpu.dma_semaphore, #tpu.memory_space<semaphore_mem>>, %arg8: memref<!tpu.dma_semaphore, #tpu.memory_space<semaphore_mem>>, %arg9: memref<!tpu.dma_semaphore, #tpu.memory_space<semaphore_mem>>, %arg10: memref<!tpu.dma_semaphore, #tpu.memory_space<semaphore_mem>>, %arg11: memref<!tpu.dma_semaphore, #tpu.memory_space<semaphore_mem>>, %arg12: memref<!tpu.dma_semaphore, #tpu.memory_space<semaphore_mem>>) attributes {dimension_semantics = [#tpu.dimension_semantics<core_parallel>, #tpu.dimension_semantics<subcore_parallel>], iteration_bounds = array<i64: 2, 16>, scalar_prefetch = 0 : i64, scratch_operands = 8 : i64, tpu.core_type = #tpu.core_type<sc_vector_subcore>, window_params = [{transform_indices = #map}, {transform_indices = #map1}, {transform_indices = #map}]} {
    %mul3A = arith.constant 2 : i32
    %mul3A_0 = arith.muli %arg1, %mul3A : i32
    %add3A = arith.addi %mul3A_0, %arg0 : i32
    %mul3A_1 = arith.constant 5120 : i32
    %mul3A_2 = arith.muli %add3A, %mul3A_1 : i32
    %add3A_3 = arith.constant 0 : i32
    %add3A_4 = arith.addi %mul3A_2, %add3A_3 : i32
    %multiple_of3A = tpu.assume_multiple %add3A_4, 8 : i32
    %dma_start3A = arith.constant 0 : i32
    %dma_start3A_5 = tpu.memref_slice %arg5[%dma_start3A] : memref<256xi32, #tpu.memory_space<vmem>> -> memref<128xi32, #tpu.memory_space<vmem>>
    %dma_start3A_6 = tpu.memref_slice %arg3[%multiple_of3A] : memref<163840xi32, #tpu.memory_space<hbm>> -> memref<128xi32, #tpu.memory_space<hbm>>
    %dma_start3A_7 = arith.constant 0 : i32
    %dma_start3A_8 = tpu.memref_slice %arg5[%dma_start3A_7] : memref<256xi32, #tpu.memory_space<vmem>> -> memref<128xi32, #tpu.memory_space<vmem>>
    %dma_start3A_9 = tpu.memref_slice %arg3[%multiple_of3A] : memref<163840xi32, #tpu.memory_space<hbm>> -> memref<128xi32, #tpu.memory_space<hbm>>
    tpu.enqueue_dma source(%dma_start3A_9 : memref<128xi32, #tpu.memory_space<hbm>>) target(%dma_start3A_8 : memref<128xi32, #tpu.memory_space<vmem>>) target_semaphore(%arg7 : memref<!tpu.dma_semaphore, #tpu.memory_space<semaphore_mem>>)
    %add3A_10 = arith.constant 128 : i32
    %add3A_11 = arith.addi %mul3A_2, %add3A_10 : i32
    %multiple_of3A_12 = tpu.assume_multiple %add3A_11, 8 : i32
    %dma_start3A_13 = arith.constant 128 : i32
    %dma_start3A_14 = tpu.memref_slice %arg5[%dma_start3A_13] : memref<256xi32, #tpu.memory_space<vmem>> -> memref<128xi32, #tpu.memory_space<vmem>>
    %dma_start3A_15 = tpu.memref_slice %arg3[%multiple_of3A_12] : memref<163840xi32, #tpu.memory_space<hbm>> -> memref<128xi32, #tpu.memory_space<hbm>>
    %dma_start3A_16 = arith.constant 128 : i32
    %dma_start3A_17 = tpu.memref_slice %arg5[%dma_start3A_16] : memref<256xi32, #tpu.memory_space<vmem>> -> memref<128xi32, #tpu.memory_space<vmem>>
    %dma_start3A_18 = tpu.memref_slice %arg3[%multiple_of3A_12] : memref<163840xi32, #tpu.memory_space<hbm>> -> memref<128xi32, #tpu.memory_space<hbm>>
    tpu.enqueue_dma source(%dma_start3A_18 : memref<128xi32, #tpu.memory_space<hbm>>) target(%dma_start3A_17 : memref<128xi32, #tpu.memory_space<vmem>>) target_semaphore(%arg8 : memref<!tpu.dma_semaphore, #tpu.memory_space<semaphore_mem>>)
    %scan3A = arith.constant 0 : i32
    %scan3A_19 = arith.constant 0 : i32
    %scan3A_20 = arith.constant 20 : i32
    %scan3A_21 = arith.addi %scan3A_19, %scan3A_20 : i32
    %scan3A_22 = arith.constant 1 : i32
    %scan3A_23 = scf.for %scan3A_56 = %scan3A_19 to %scan3A_21 step %scan3A_22 iter_args(%scan3A_57 = %scan3A) -> (i32)  : i32 {
      %mul3A_58 = arith.constant 2 : i32
      %mul3A_59 = arith.muli %scan3A_56, %mul3A_58 : i32
      %add3A_60 = arith.constant 0 : i32
      %add3A_61 = arith.addi %mul3A_59, %add3A_60 : i32
      %mul3A_62 = arith.constant 128 : i32
      %mul3A_63 = arith.muli %add3A_61, %mul3A_62 : i32
      %add3A_64 = arith.addi %mul3A_2, %mul3A_63 : i32
      %multiple_of3A_65 = tpu.assume_multiple %add3A_64, 8 : i32
      %dma_wait3A_66 = arith.constant 0 : i32
      %dma_wait3A_67 = tpu.memref_slice %arg5[%dma_wait3A_66] : memref<256xi32, #tpu.memory_space<vmem>> -> memref<128xi32, #tpu.memory_space<vmem>>
      %dma_wait3A_68 = tpu.memref_slice %arg3[%multiple_of3A_65] : memref<163840xi32, #tpu.memory_space<hbm>> -> memref<128xi32, #tpu.memory_space<hbm>>
      %dma_wait3A_69 = arith.constant 0 : i32
      %dma_wait3A_70 = tpu.memref_slice %arg5[%dma_wait3A_69] : memref<256xi32, #tpu.memory_space<vmem>> -> memref<128xi32, #tpu.memory_space<vmem>>
      %dma_wait3A_71 = tpu.memref_slice %arg3[%multiple_of3A_65] : memref<163840xi32, #tpu.memory_space<hbm>> -> memref<128xi32, #tpu.memory_space<hbm>>
      tpu.wait_dma2 semaphore(%arg7 : memref<!tpu.dma_semaphore, #tpu.memory_space<semaphore_mem>>) src(%dma_wait3A_71 : memref<128xi32, #tpu.memory_space<hbm>>) dst(%dma_wait3A_70 : memref<128xi32, #tpu.memory_space<vmem>>)
      %gt3A = arith.constant 0 : i32
      %gt3A_72 = arith.cmpi sgt, %scan3A_56, %gt3A : i32
      %convert_element_type3A = arith.extui %gt3A_72 : i1 to i32
      %cond3A = arith.constant 0 : i32
      %cond3A_73 = arith.cmpi ne, %convert_element_type3A, %cond3A : i32
      scf.if %cond3A_73 {
        %mul3A_185 = arith.constant 128 : i32
        %mul3A_186 = arith.muli %add3A_61, %mul3A_185 : i32
        %add3A_187 = arith.addi %mul3A_2, %mul3A_186 : i32
        %multiple_of3A_188 = tpu.assume_multiple %add3A_187, 8 : i32
        %dma_wait3A_189 = arith.constant 0 : i32
        %dma_wait3A_190 = arith.constant 0 : i32
        %dma_wait3A_191 = arith.constant 0 : i32
        %dma_wait3A_192 = tpu.memref_slice %arg6[%dma_wait3A_189, %dma_wait3A_190, %dma_wait3A_191] : memref<2x128x128xf32, #tpu.memory_space<vmem>> -> memref<1x128x128xf32, #tpu.memory_space<vmem>>
        %dma_wait3A_193 = tpu.memref_squeeze %dma_wait3A_192 : memref<1x128x128xf32, #tpu.memory_space<vmem>> -> memref<128x128xf32, #tpu.memory_space<vmem>>
        %dma_wait3A_194 = arith.constant 0 : i32
        %dma_wait3A_195 = tpu.memref_slice %arg4[%multiple_of3A_188, %dma_wait3A_194] : memref<163840x128xf32, #tpu.memory_space<hbm>> -> memref<128x128xf32, #tpu.memory_space<hbm>>
        %dma_wait3A_196 = arith.constant 0 : i32
        %dma_wait3A_197 = tpu.memref_slice %arg4[%multiple_of3A_188, %dma_wait3A_196] : memref<163840x128xf32, #tpu.memory_space<hbm>> -> memref<128x128xf32, #tpu.memory_space<hbm>>
        %dma_wait3A_198 = arith.constant 0 : i32
        %dma_wait3A_199 = arith.constant 0 : i32
        %dma_wait3A_200 = tpu.memref_slice %arg6[%dma_wait3A_189, %dma_wait3A_198, %dma_wait3A_199] : memref<2x128x128xf32, #tpu.memory_space<vmem>> -> memref<1x128x128xf32, #tpu.memory_space<vmem>>
        %dma_wait3A_201 = tpu.memref_squeeze %dma_wait3A_200 : memref<1x128x128xf32, #tpu.memory_space<vmem>> -> memref<128x128xf32, #tpu.memory_space<vmem>>
        tpu.wait_dma2 semaphore(%arg11 : memref<!tpu.dma_semaphore, #tpu.memory_space<semaphore_mem>>) src(%dma_wait3A_201 : memref<128x128xf32, #tpu.memory_space<vmem>>) dst(%dma_wait3A_197 : memref<128x128xf32, #tpu.memory_space<hbm>>)
      } else {
      }
      %dma_start3A_74 = arith.constant 0 : i32
      %dma_start3A_75 = arith.constant 0 : i32
      %dma_start3A_76 = arith.constant 0 : i32
      %dma_start3A_77 = tpu.memref_slice %arg6[%dma_start3A_74, %dma_start3A_75, %dma_start3A_76] : memref<2x128x128xf32, #tpu.memory_space<vmem>> -> memref<1x128x128xf32, #tpu.memory_space<vmem>>
      %dma_start3A_78 = tpu.memref_squeeze %dma_start3A_77 : memref<1x128x128xf32, #tpu.memory_space<vmem>> -> memref<128x128xf32, #tpu.memory_space<vmem>>
      %dma_start3A_79 = arith.constant 0 : i32
      %dma_start3A_80 = tpu.memref_slice %arg5[%dma_start3A_79] : memref<256xi32, #tpu.memory_space<vmem>> -> memref<128xi32, #tpu.memory_space<vmem>>
      %dma_start3A_81 = arith.constant 0 : i32
      %dma_start3A_82 = arith.constant 0 : i32
      %dma_start3A_83 = tpu.memref_slice %arg2[%dma_start3A_81, %dma_start3A_82] : memref<160000x128xf32, #tpu.memory_space<hbm>> -> memref<160000x128xf32, #tpu.memory_space<hbm>>
      tpu.enqueue_indirect_dma source(%dma_start3A_83 : memref<160000x128xf32, #tpu.memory_space<hbm>>) target(%dma_start3A_78 : memref<128x128xf32, #tpu.memory_space<vmem>>) offsets(%dma_start3A_80 : memref<128xi32, #tpu.memory_space<vmem>>) semaphore(%arg9 : memref<!tpu.dma_semaphore, #tpu.memory_space<semaphore_mem>>)
      %mul3A_84 = arith.constant 2 : i32
      %mul3A_85 = arith.muli %scan3A_56, %mul3A_84 : i32
      %add3A_86 = arith.constant 1 : i32
      %add3A_87 = arith.addi %mul3A_85, %add3A_86 : i32
      %mul3A_88 = arith.constant 128 : i32
      %mul3A_89 = arith.muli %add3A_87, %mul3A_88 : i32
      %add3A_90 = arith.addi %mul3A_2, %mul3A_89 : i32
      %multiple_of3A_91 = tpu.assume_multiple %add3A_90, 8 : i32
      %dma_wait3A_92 = arith.constant 128 : i32
      %dma_wait3A_93 = tpu.memref_slice %arg5[%dma_wait3A_92] : memref<256xi32, #tpu.memory_space<vmem>> -> memref<128xi32, #tpu.memory_space<vmem>>
      %dma_wait3A_94 = tpu.memref_slice %arg3[%multiple_of3A_91] : memref<163840xi32, #tpu.memory_space<hbm>> -> memref<128xi32, #tpu.memory_space<hbm>>
      %dma_wait3A_95 = arith.constant 128 : i32
      %dma_wait3A_96 = tpu.memref_slice %arg5[%dma_wait3A_95] : memref<256xi32, #tpu.memory_space<vmem>> -> memref<128xi32, #tpu.memory_space<vmem>>
      %dma_wait3A_97 = tpu.memref_slice %arg3[%multiple_of3A_91] : memref<163840xi32, #tpu.memory_space<hbm>> -> memref<128xi32, #tpu.memory_space<hbm>>
      tpu.wait_dma2 semaphore(%arg8 : memref<!tpu.dma_semaphore, #tpu.memory_space<semaphore_mem>>) src(%dma_wait3A_97 : memref<128xi32, #tpu.memory_space<hbm>>) dst(%dma_wait3A_96 : memref<128xi32, #tpu.memory_space<vmem>>)
      %gt3A_98 = arith.constant 0 : i32
      %gt3A_99 = arith.cmpi sgt, %scan3A_56, %gt3A_98 : i32
      %convert_element_type3A_100 = arith.extui %gt3A_99 : i1 to i32
      %cond3A_101 = arith.constant 0 : i32
      %cond3A_102 = arith.cmpi ne, %convert_element_type3A_100, %cond3A_101 : i32
      scf.if %cond3A_102 {
        %mul3A_185 = arith.constant 128 : i32
        %mul3A_186 = arith.muli %add3A_87, %mul3A_185 : i32
        %add3A_187 = arith.addi %mul3A_2, %mul3A_186 : i32
        %multiple_of3A_188 = tpu.assume_multiple %add3A_187, 8 : i32
        %dma_wait3A_189 = arith.constant 1 : i32
        %dma_wait3A_190 = arith.constant 0 : i32
        %dma_wait3A_191 = arith.constant 0 : i32
        %dma_wait3A_192 = tpu.memref_slice %arg6[%dma_wait3A_189, %dma_wait3A_190, %dma_wait3A_191] : memref<2x128x128xf32, #tpu.memory_space<vmem>> -> memref<1x128x128xf32, #tpu.memory_space<vmem>>
        %dma_wait3A_193 = tpu.memref_squeeze %dma_wait3A_192 : memref<1x128x128xf32, #tpu.memory_space<vmem>> -> memref<128x128xf32, #tpu.memory_space<vmem>>
        %dma_wait3A_194 = arith.constant 0 : i32
        %dma_wait3A_195 = tpu.memref_slice %arg4[%multiple_of3A_188, %dma_wait3A_194] : memref<163840x128xf32, #tpu.memory_space<hbm>> -> memref<128x128xf32, #tpu.memory_space<hbm>>
        %dma_wait3A_196 = arith.constant 0 : i32
        %dma_wait3A_197 = tpu.memref_slice %arg4[%multiple_of3A_188, %dma_wait3A_196] : memref<163840x128xf32, #tpu.memory_space<hbm>> -> memref<128x128xf32, #tpu.memory_space<hbm>>
        %dma_wait3A_198 = arith.constant 0 : i32
        %dma_wait3A_199 = arith.constant 0 : i32
        %dma_wait3A_200 = tpu.memref_slice %arg6[%dma_wait3A_189, %dma_wait3A_198, %dma_wait3A_199] : memref<2x128x128xf32, #tpu.memory_space<vmem>> -> memref<1x128x128xf32, #tpu.memory_space<vmem>>
        %dma_wait3A_201 = tpu.memref_squeeze %dma_wait3A_200 : memref<1x128x128xf32, #tpu.memory_space<vmem>> -> memref<128x128xf32, #tpu.memory_space<vmem>>
        tpu.wait_dma2 semaphore(%arg12 : memref<!tpu.dma_semaphore, #tpu.memory_space<semaphore_mem>>) src(%dma_wait3A_201 : memref<128x128xf32, #tpu.memory_space<vmem>>) dst(%dma_wait3A_197 : memref<128x128xf32, #tpu.memory_space<hbm>>)
      } else {
      }
      %dma_start3A_103 = arith.constant 1 : i32
      %dma_start3A_104 = arith.constant 0 : i32
      %dma_start3A_105 = arith.constant 0 : i32
      %dma_start3A_106 = tpu.memref_slice %arg6[%dma_start3A_103, %dma_start3A_104, %dma_start3A_105] : memref<2x128x128xf32, #tpu.memory_space<vmem>> -> memref<1x128x128xf32, #tpu.memory_space<vmem>>
      %dma_start3A_107 = tpu.memref_squeeze %dma_start3A_106 : memref<1x128x128xf32, #tpu.memory_space<vmem>> -> memref<128x128xf32, #tpu.memory_space<vmem>>
      %dma_start3A_108 = arith.constant 128 : i32
      %dma_start3A_109 = tpu.memref_slice %arg5[%dma_start3A_108] : memref<256xi32, #tpu.memory_space<vmem>> -> memref<128xi32, #tpu.memory_space<vmem>>
      %dma_start3A_110 = arith.constant 0 : i32
      %dma_start3A_111 = arith.constant 0 : i32
      %dma_start3A_112 = tpu.memref_slice %arg2[%dma_start3A_110, %dma_start3A_111] : memref<160000x128xf32, #tpu.memory_space<hbm>> -> memref<160000x128xf32, #tpu.memory_space<hbm>>
      tpu.enqueue_indirect_dma source(%dma_start3A_112 : memref<160000x128xf32, #tpu.memory_space<hbm>>) target(%dma_start3A_107 : memref<128x128xf32, #tpu.memory_space<vmem>>) offsets(%dma_start3A_109 : memref<128xi32, #tpu.memory_space<vmem>>) semaphore(%arg10 : memref<!tpu.dma_semaphore, #tpu.memory_space<semaphore_mem>>)
      %mul3A_113 = arith.constant 2 : i32
      %mul3A_114 = arith.muli %scan3A_56, %mul3A_113 : i32
      %add3A_115 = arith.constant 0 : i32
      %add3A_116 = arith.addi %mul3A_114, %add3A_115 : i32
      %dma_wait3A_117 = arith.constant 0 : i32
      %dma_wait3A_118 = arith.constant 0 : i32
      %dma_wait3A_119 = arith.constant 0 : i32
      %dma_wait3A_120 = tpu.memref_slice %arg6[%dma_wait3A_117, %dma_wait3A_118, %dma_wait3A_119] : memref<2x128x128xf32, #tpu.memory_space<vmem>> -> memref<1x128x128xf32, #tpu.memory_space<vmem>>
      %dma_wait3A_121 = tpu.memref_squeeze %dma_wait3A_120 : memref<1x128x128xf32, #tpu.memory_space<vmem>> -> memref<128x128xf32, #tpu.memory_space<vmem>>
      %dma_wait3A_122 = arith.constant 0 : i32
      %dma_wait3A_123 = tpu.memref_slice %arg5[%dma_wait3A_122] : memref<256xi32, #tpu.memory_space<vmem>> -> memref<128xi32, #tpu.memory_space<vmem>>
      %dma_wait3A_124 = arith.constant 0 : i32
      %dma_wait3A_125 = arith.constant 0 : i32
      %dma_wait3A_126 = tpu.memref_slice %arg2[%dma_wait3A_124, %dma_wait3A_125] : memref<160000x128xf32, #tpu.memory_space<hbm>> -> memref<160000x128xf32, #tpu.memory_space<hbm>>
      tpu.wait_indirect_dma semaphore(%arg9 : memref<!tpu.dma_semaphore, #tpu.memory_space<semaphore_mem>>) src(%dma_wait3A_126 : memref<160000x128xf32, #tpu.memory_space<hbm>>) dst(%dma_wait3A_121 : memref<128x128xf32, #tpu.memory_space<vmem>>)
      %lt3A = arith.constant 19 : i32
      %lt3A_127 = arith.cmpi slt, %scan3A_56, %lt3A : i32
      %convert_element_type3A_128 = arith.extui %lt3A_127 : i1 to i32
      %cond3A_129 = arith.constant 0 : i32
      %cond3A_130 = arith.cmpi ne, %convert_element_type3A_128, %cond3A_129 : i32
      scf.if %cond3A_130 {
        %add3A_185 = arith.constant 2 : i32
        %add3A_186 = arith.addi %add3A_116, %add3A_185 : i32
        %mul3A_187 = arith.constant 128 : i32
        %mul3A_188 = arith.muli %add3A_186, %mul3A_187 : i32
        %add3A_189 = arith.addi %mul3A_2, %mul3A_188 : i32
        %multiple_of3A_190 = tpu.assume_multiple %add3A_189, 8 : i32
        %dma_start3A_191 = arith.constant 0 : i32
        %dma_start3A_192 = tpu.memref_slice %arg5[%dma_start3A_191] : memref<256xi32, #tpu.memory_space<vmem>> -> memref<128xi32, #tpu.memory_space<vmem>>
        %dma_start3A_193 = tpu.memref_slice %arg3[%multiple_of3A_190] : memref<163840xi32, #tpu.memory_space<hbm>> -> memref<128xi32, #tpu.memory_space<hbm>>
        %dma_start3A_194 = arith.constant 0 : i32
        %dma_start3A_195 = tpu.memref_slice %arg5[%dma_start3A_194] : memref<256xi32, #tpu.memory_space<vmem>> -> memref<128xi32, #tpu.memory_space<vmem>>
        %dma_start3A_196 = tpu.memref_slice %arg3[%multiple_of3A_190] : memref<163840xi32, #tpu.memory_space<hbm>> -> memref<128xi32, #tpu.memory_space<hbm>>
        tpu.enqueue_dma source(%dma_start3A_196 : memref<128xi32, #tpu.memory_space<hbm>>) target(%dma_start3A_195 : memref<128xi32, #tpu.memory_space<vmem>>) target_semaphore(%arg7 : memref<!tpu.dma_semaphore, #tpu.memory_space<semaphore_mem>>)
      } else {
      }
      %mul3A_131 = arith.constant 128 : i32
      %mul3A_132 = arith.muli %add3A_116, %mul3A_131 : i32
      %add3A_133 = arith.addi %mul3A_2, %mul3A_132 : i32
      %multiple_of3A_134 = tpu.assume_multiple %add3A_133, 8 : i32
      %dma_start3A_135 = arith.constant 0 : i32
      %dma_start3A_136 = arith.constant 0 : i32
      %dma_start3A_137 = arith.constant 0 : i32
      %dma_start3A_138 = tpu.memref_slice %arg6[%dma_start3A_135, %dma_start3A_136, %dma_start3A_137] : memref<2x128x128xf32, #tpu.memory_space<vmem>> -> memref<1x128x128xf32, #tpu.memory_space<vmem>>
      %dma_start3A_139 = tpu.memref_squeeze %dma_start3A_138 : memref<1x128x128xf32, #tpu.memory_space<vmem>> -> memref<128x128xf32, #tpu.memory_space<vmem>>
      %dma_start3A_140 = arith.constant 0 : i32
      %dma_start3A_141 = tpu.memref_slice %arg4[%multiple_of3A_134, %dma_start3A_140] : memref<163840x128xf32, #tpu.memory_space<hbm>> -> memref<128x128xf32, #tpu.memory_space<hbm>>
      %dma_start3A_142 = arith.constant 0 : i32
      %dma_start3A_143 = tpu.memref_slice %arg4[%multiple_of3A_134, %dma_start3A_142] : memref<163840x128xf32, #tpu.memory_space<hbm>> -> memref<128x128xf32, #tpu.memory_space<hbm>>
      %dma_start3A_144 = arith.constant 0 : i32
      %dma_start3A_145 = arith.constant 0 : i32
      %dma_start3A_146 = tpu.memref_slice %arg6[%dma_start3A_135, %dma_start3A_144, %dma_start3A_145] : memref<2x128x128xf32, #tpu.memory_space<vmem>> -> memref<1x128x128xf32, #tpu.memory_space<vmem>>
      %dma_start3A_147 = tpu.memref_squeeze %dma_start3A_146 : memref<1x128x128xf32, #tpu.memory_space<vmem>> -> memref<128x128xf32, #tpu.memory_space<vmem>>
      tpu.enqueue_dma source(%dma_start3A_147 : memref<128x128xf32, #tpu.memory_space<vmem>>) target(%dma_start3A_143 : memref<128x128xf32, #tpu.memory_space<hbm>>) target_semaphore(%arg11 : memref<!tpu.dma_semaphore, #tpu.memory_space<semaphore_mem>>)
      %mul3A_148 = arith.constant 2 : i32
      %mul3A_149 = arith.muli %scan3A_56, %mul3A_148 : i32
      %add3A_150 = arith.constant 1 : i32
      %add3A_151 = arith.addi %mul3A_149, %add3A_150 : i32
      %dma_wait3A_152 = arith.constant 1 : i32
      %dma_wait3A_153 = arith.constant 0 : i32
      %dma_wait3A_154 = arith.constant 0 : i32
      %dma_wait3A_155 = tpu.memref_slice %arg6[%dma_wait3A_152, %dma_wait3A_153, %dma_wait3A_154] : memref<2x128x128xf32, #tpu.memory_space<vmem>> -> memref<1x128x128xf32, #tpu.memory_space<vmem>>
      %dma_wait3A_156 = tpu.memref_squeeze %dma_wait3A_155 : memref<1x128x128xf32, #tpu.memory_space<vmem>> -> memref<128x128xf32, #tpu.memory_space<vmem>>
      %dma_wait3A_157 = arith.constant 128 : i32
      %dma_wait3A_158 = tpu.memref_slice %arg5[%dma_wait3A_157] : memref<256xi32, #tpu.memory_space<vmem>> -> memref<128xi32, #tpu.memory_space<vmem>>
      %dma_wait3A_159 = arith.constant 0 : i32
      %dma_wait3A_160 = arith.constant 0 : i32
      %dma_wait3A_161 = tpu.memref_slice %arg2[%dma_wait3A_159, %dma_wait3A_160] : memref<160000x128xf32, #tpu.memory_space<hbm>> -> memref<160000x128xf32, #tpu.memory_space<hbm>>
      tpu.wait_indirect_dma semaphore(%arg10 : memref<!tpu.dma_semaphore, #tpu.memory_space<semaphore_mem>>) src(%dma_wait3A_161 : memref<160000x128xf32, #tpu.memory_space<hbm>>) dst(%dma_wait3A_156 : memref<128x128xf32, #tpu.memory_space<vmem>>)
      %lt3A_162 = arith.constant 19 : i32
      %lt3A_163 = arith.cmpi slt, %scan3A_56, %lt3A_162 : i32
      %convert_element_type3A_164 = arith.extui %lt3A_163 : i1 to i32
      %cond3A_165 = arith.constant 0 : i32
      %cond3A_166 = arith.cmpi ne, %convert_element_type3A_164, %cond3A_165 : i32
      scf.if %cond3A_166 {
        %add3A_185 = arith.constant 2 : i32
        %add3A_186 = arith.addi %add3A_151, %add3A_185 : i32
        %mul3A_187 = arith.constant 128 : i32
        %mul3A_188 = arith.muli %add3A_186, %mul3A_187 : i32
        %add3A_189 = arith.addi %mul3A_2, %mul3A_188 : i32
        %multiple_of3A_190 = tpu.assume_multiple %add3A_189, 8 : i32
        %dma_start3A_191 = arith.constant 128 : i32
        %dma_start3A_192 = tpu.memref_slice %arg5[%dma_start3A_191] : memref<256xi32, #tpu.memory_space<vmem>> -> memref<128xi32, #tpu.memory_space<vmem>>
        %dma_start3A_193 = tpu.memref_slice %arg3[%multiple_of3A_190] : memref<163840xi32, #tpu.memory_space<hbm>> -> memref<128xi32, #tpu.memory_space<hbm>>
        %dma_start3A_194 = arith.constant 128 : i32
        %dma_start3A_195 = tpu.memref_slice %arg5[%dma_start3A_194] : memref<256xi32, #tpu.memory_space<vmem>> -> memref<128xi32, #tpu.memory_space<vmem>>
        %dma_start3A_196 = tpu.memref_slice %arg3[%multiple_of3A_190] : memref<163840xi32, #tpu.memory_space<hbm>> -> memref<128xi32, #tpu.memory_space<hbm>>
        tpu.enqueue_dma source(%dma_start3A_196 : memref<128xi32, #tpu.memory_space<hbm>>) target(%dma_start3A_195 : memref<128xi32, #tpu.memory_space<vmem>>) target_semaphore(%arg8 : memref<!tpu.dma_semaphore, #tpu.memory_space<semaphore_mem>>)
      } else {
      }
      %mul3A_167 = arith.constant 128 : i32
      %mul3A_168 = arith.muli %add3A_151, %mul3A_167 : i32
      %add3A_169 = arith.addi %mul3A_2, %mul3A_168 : i32
      %multiple_of3A_170 = tpu.assume_multiple %add3A_169, 8 : i32
      %dma_start3A_171 = arith.constant 1 : i32
      %dma_start3A_172 = arith.constant 0 : i32
      %dma_start3A_173 = arith.constant 0 : i32
      %dma_start3A_174 = tpu.memref_slice %arg6[%dma_start3A_171, %dma_start3A_172, %dma_start3A_173] : memref<2x128x128xf32, #tpu.memory_space<vmem>> -> memref<1x128x128xf32, #tpu.memory_space<vmem>>
      %dma_start3A_175 = tpu.memref_squeeze %dma_start3A_174 : memref<1x128x128xf32, #tpu.memory_space<vmem>> -> memref<128x128xf32, #tpu.memory_space<vmem>>
      %dma_start3A_176 = arith.constant 0 : i32
      %dma_start3A_177 = tpu.memref_slice %arg4[%multiple_of3A_170, %dma_start3A_176] : memref<163840x128xf32, #tpu.memory_space<hbm>> -> memref<128x128xf32, #tpu.memory_space<hbm>>
      %dma_start3A_178 = arith.constant 0 : i32
      %dma_start3A_179 = tpu.memref_slice %arg4[%multiple_of3A_170, %dma_start3A_178] : memref<163840x128xf32, #tpu.memory_space<hbm>> -> memref<128x128xf32, #tpu.memory_space<hbm>>
      %dma_start3A_180 = arith.constant 0 : i32
      %dma_start3A_181 = arith.constant 0 : i32
      %dma_start3A_182 = tpu.memref_slice %arg6[%dma_start3A_171, %dma_start3A_180, %dma_start3A_181] : memref<2x128x128xf32, #tpu.memory_space<vmem>> -> memref<1x128x128xf32, #tpu.memory_space<vmem>>
      %dma_start3A_183 = tpu.memref_squeeze %dma_start3A_182 : memref<1x128x128xf32, #tpu.memory_space<vmem>> -> memref<128x128xf32, #tpu.memory_space<vmem>>
      tpu.enqueue_dma source(%dma_start3A_183 : memref<128x128xf32, #tpu.memory_space<vmem>>) target(%dma_start3A_179 : memref<128x128xf32, #tpu.memory_space<hbm>>) target_semaphore(%arg12 : memref<!tpu.dma_semaphore, #tpu.memory_space<semaphore_mem>>)
      %scan3A_184 = arith.constant 0 : i32
      scf.yield %scan3A_184 : i32
    }
    %scan3A_24 = arith.constant 20 : i32
    %add3A_25 = arith.constant 0 : i32
    %add3A_26 = arith.addi %mul3A_2, %add3A_25 : i32
    %multiple_of3A_27 = tpu.assume_multiple %add3A_26, 8 : i32
    %dma_wait3A = arith.constant 0 : i32
    %dma_wait3A_28 = arith.constant 0 : i32
    %dma_wait3A_29 = arith.constant 0 : i32
    %dma_wait3A_30 = tpu.memref_slice %arg6[%dma_wait3A, %dma_wait3A_28, %dma_wait3A_29] : memref<2x128x128xf32, #tpu.memory_space<vmem>> -> memref<1x128x128xf32, #tpu.memory_space<vmem>>
    %dma_wait3A_31 = tpu.memref_squeeze %dma_wait3A_30 : memref<1x128x128xf32, #tpu.memory_space<vmem>> -> memref<128x128xf32, #tpu.memory_space<vmem>>
    %dma_wait3A_32 = arith.constant 0 : i32
    %dma_wait3A_33 = tpu.memref_slice %arg4[%multiple_of3A_27, %dma_wait3A_32] : memref<163840x128xf32, #tpu.memory_space<hbm>> -> memref<128x128xf32, #tpu.memory_space<hbm>>
    %dma_wait3A_34 = arith.constant 0 : i32
    %dma_wait3A_35 = tpu.memref_slice %arg4[%multiple_of3A_27, %dma_wait3A_34] : memref<163840x128xf32, #tpu.memory_space<hbm>> -> memref<128x128xf32, #tpu.memory_space<hbm>>
    %dma_wait3A_36 = arith.constant 0 : i32
    %dma_wait3A_37 = arith.constant 0 : i32
    %dma_wait3A_38 = tpu.memref_slice %arg6[%dma_wait3A, %dma_wait3A_36, %dma_wait3A_37] : memref<2x128x128xf32, #tpu.memory_space<vmem>> -> memref<1x128x128xf32, #tpu.memory_space<vmem>>
    %dma_wait3A_39 = tpu.memref_squeeze %dma_wait3A_38 : memref<1x128x128xf32, #tpu.memory_space<vmem>> -> memref<128x128xf32, #tpu.memory_space<vmem>>
    tpu.wait_dma2 semaphore(%arg11 : memref<!tpu.dma_semaphore, #tpu.memory_space<semaphore_mem>>) src(%dma_wait3A_39 : memref<128x128xf32, #tpu.memory_space<vmem>>) dst(%dma_wait3A_35 : memref<128x128xf32, #tpu.memory_space<hbm>>)
    %add3A_40 = arith.constant 128 : i32
    %add3A_41 = arith.addi %mul3A_2, %add3A_40 : i32
    %multiple_of3A_42 = tpu.assume_multiple %add3A_41, 8 : i32
    %dma_wait3A_43 = arith.constant 1 : i32
    %dma_wait3A_44 = arith.constant 0 : i32
    %dma_wait3A_45 = arith.constant 0 : i32
    %dma_wait3A_46 = tpu.memref_slice %arg6[%dma_wait3A_43, %dma_wait3A_44, %dma_wait3A_45] : memref<2x128x128xf32, #tpu.memory_space<vmem>> -> memref<1x128x128xf32, #tpu.memory_space<vmem>>
    %dma_wait3A_47 = tpu.memref_squeeze %dma_wait3A_46 : memref<1x128x128xf32, #tpu.memory_space<vmem>> -> memref<128x128xf32, #tpu.memory_space<vmem>>
    %dma_wait3A_48 = arith.constant 0 : i32
    %dma_wait3A_49 = tpu.memref_slice %arg4[%multiple_of3A_42, %dma_wait3A_48] : memref<163840x128xf32, #tpu.memory_space<hbm>> -> memref<128x128xf32, #tpu.memory_space<hbm>>
    %dma_wait3A_50 = arith.constant 0 : i32
    %dma_wait3A_51 = tpu.memref_slice %arg4[%multiple_of3A_42, %dma_wait3A_50] : memref<163840x128xf32, #tpu.memory_space<hbm>> -> memref<128x128xf32, #tpu.memory_space<hbm>>
    %dma_wait3A_52 = arith.constant 0 : i32
    %dma_wait3A_53 = arith.constant 0 : i32
    %dma_wait3A_54 = tpu.memref_slice %arg6[%dma_wait3A_43, %dma_wait3A_52, %dma_wait3A_53] : memref<2x128x128xf32, #tpu.memory_space<vmem>> -> memref<1x128x128xf32, #tpu.memory_space<vmem>>
    %dma_wait3A_55 = tpu.memref_squeeze %dma_wait3A_54 : memref<1x128x128xf32, #tpu.memory_space<vmem>> -> memref<128x128xf32, #tpu.memory_space<vmem>>
    tpu.wait_dma2 semaphore(%arg12 : memref<!tpu.dma_semaphore, #tpu.memory_space<semaphore_mem>>) src(%dma_wait3A_55 : memref<128x128xf32, #tpu.memory_space<vmem>>) dst(%dma_wait3A_51 : memref<128x128xf32, #tpu.memory_space<hbm>>)
    return
  }
}

module attributes {stable_mosaic.version = 14 : i64} {
  func.func @_pre_body(%arg0: i32, %arg1: memref<6400x128xf32, #tpu.memory_space<vmem>>, %arg2: memref<6400x6xf32, #tpu.memory_space<vmem>>, %arg3: memref<128x128xf32, #tpu.memory_space<vmem>>, %arg4: memref<1x128xf32, #tpu.memory_space<vmem>>, %arg5: memref<6x128xf32, #tpu.memory_space<vmem>>, %arg6: memref<6400x128xf32, #tpu.memory_space<vmem>>) attributes {dimension_semantics = [#tpu.dimension_semantics<arbitrary>], iteration_bounds = array<i64: 25>, scalar_prefetch = 0 : i64, scratch_operands = 0 : i64, tpu.core_type = #tpu.core_type<tc>, window_params = [{transform_indices = @transform_0, window_bounds = array<i64: 6400, 128>}, {transform_indices = @transform_1, window_bounds = array<i64: 6400, 6>}, {pipeline_mode = #tpu.pipeline_mode<synchronous>, transform_indices = @transform_2, window_bounds = array<i64: 128, 128>}, {pipeline_mode = #tpu.pipeline_mode<synchronous>, transform_indices = @transform_3, window_bounds = array<i64: 1, 128>}, {pipeline_mode = #tpu.pipeline_mode<synchronous>, transform_indices = @transform_4, window_bounds = array<i64: 6, 128>}, {transform_indices = @transform_5, window_bounds = array<i64: 6400, 128>}]} {
    %get3A = arith.constant 0 : index
    %get3A_0 = arith.constant 0 : index
    %get3A_1 = vector.load %arg1[%get3A, %get3A_0] : memref<6400x128xf32, #tpu.memory_space<vmem>>, vector<6400x128xf32>
    %get3A_2 = arith.constant 0 : index
    %get3A_3 = arith.constant 0 : index
    %get3A_4 = vector.load %arg2[%get3A_2, %get3A_3] : memref<6400x6xf32, #tpu.memory_space<vmem>>, vector<6400x6xf32>
    %get3A_5 = arith.constant 0 : index
    %get3A_6 = arith.constant 0 : index
    %get3A_7 = vector.load %arg5[%get3A_5, %get3A_6] : memref<6x128xf32, #tpu.memory_space<vmem>>, vector<6x128xf32>
    %dot_general3A = arith.constant dense<0.000000e+00> : vector<6400x128xf32>
    %dot_general3A_8 = tpu.matmul %get3A_4, %get3A_7, %dot_general3A {dimension_numbers = #tpu.dot_dimension_numbers<[1], [0], [0], [1], [0, 0, 1, 1], [], []>, transpose_lhs_hint = false} : vector<6400x6xf32>, vector<6x128xf32>, vector<6400x128xf32> -> vector<6400x128xf32>
    %get3A_9 = arith.constant 0 : index
    %get3A_10 = arith.constant 0 : index
    %get3A_11 = vector.load %arg3[%get3A_9, %get3A_10] : memref<128x128xf32, #tpu.memory_space<vmem>>, vector<128x128xf32>
    %dot_general3A_12 = arith.constant dense<0.000000e+00> : vector<6400x128xf32>
    %dot_general3A_13 = tpu.matmul %get3A_1, %get3A_11, %dot_general3A_12 {dimension_numbers = #tpu.dot_dimension_numbers<[1], [0], [0], [1], [0, 0, 1, 1], [], []>, transpose_lhs_hint = false} : vector<6400x128xf32>, vector<128x128xf32>, vector<6400x128xf32> -> vector<6400x128xf32>
    %get3A_14 = arith.constant 0 : index
    %get3A_15 = arith.constant 0 : index
    %get3A_16 = vector.load %arg4[%get3A_14, %get3A_15] : memref<1x128xf32, #tpu.memory_space<vmem>>, vector<1x128xf32>
    %add3A = vector.broadcast %get3A_16 : vector<1x128xf32> to vector<6400x128xf32>
    %add3A_17 = arith.addf %dot_general3A_13, %add3A : vector<6400x128xf32>
    %neg3A = arith.constant 0.000000e+00 : f32
    %neg3A_18 = vector.broadcast %neg3A : f32 to vector<6400x128xf32>
    %neg3A_19 = arith.subf %neg3A_18, %add3A_17 : vector<6400x128xf32>
    %exp3A = math.exp %neg3A_19 : vector<6400x128xf32>
    %add3A_20 = arith.constant 1.000000e+00 : f32
    %add3A_21 = vector.broadcast %add3A_20 : f32 to vector<6400x128xf32>
    %add3A_22 = arith.addf %add3A_21, %exp3A : vector<6400x128xf32>
    %div3A = arith.constant 1.000000e+00 : f32
    %div3A_23 = vector.broadcast %div3A : f32 to vector<6400x128xf32>
    %div3A_24 = arith.divf %div3A_23, %add3A_22 : vector<6400x128xf32>
    %mul3A = arith.mulf %add3A_17, %div3A_24 : vector<6400x128xf32>
    %mul3A_25 = arith.mulf %mul3A, %dot_general3A_8 : vector<6400x128xf32>
    %swap3A = arith.constant 0 : index
    %swap3A_26 = arith.constant 0 : index
    %swap3A_27 = vector.load %arg6[%swap3A, %swap3A_26] : memref<6400x128xf32, #tpu.memory_space<vmem>>, vector<6400x128xf32>
    tpu.vector_store %arg6[%swap3A, %swap3A_26], %mul3A_25 {strides = array<i32>} : memref<6400x128xf32, #tpu.memory_space<vmem>>, vector<6400x128xf32>,
    return
  }
  func.func @transform_0(%arg0: i32) -> (i32, i32) {
    %c0_i32 = arith.constant 0 : i32
    %c0_i32_0 = arith.constant 0 : i32
    return %arg0, %c0_i32 : i32, i32
  }
  func.func @transform_1(%arg0: i32) -> (i32, i32) {
    %c0_i32 = arith.constant 0 : i32
    %c0_i32_0 = arith.constant 0 : i32
    return %arg0, %c0_i32 : i32, i32
  }
  func.func @transform_2(%arg0: i32) -> (i32, i32) {
    %c0_i32 = arith.constant 0 : i32
    %c0_i32_0 = arith.constant 0 : i32
    %c0_i32_1 = arith.constant 0 : i32
    return %c0_i32, %c0_i32_0 : i32, i32
  }
  func.func @transform_3(%arg0: i32) -> (i32, i32) {
    %c0_i32 = arith.constant 0 : i32
    %c0_i32_0 = arith.constant 0 : i32
    %c0_i32_1 = arith.constant 0 : i32
    return %c0_i32, %c0_i32_0 : i32, i32
  }
  func.func @transform_4(%arg0: i32) -> (i32, i32) {
    %c0_i32 = arith.constant 0 : i32
    %c0_i32_0 = arith.constant 0 : i32
    %c0_i32_1 = arith.constant 0 : i32
    return %c0_i32, %c0_i32_0 : i32, i32
  }
  func.func @transform_5(%arg0: i32) -> (i32, i32) {
    %c0_i32 = arith.constant 0 : i32
    %c0_i32_0 = arith.constant 0 : i32
    return %arg0, %c0_i32 : i32, i32
  }
}

module attributes {stable_mosaic.version = 14 : i64} {
  func.func @_einsum_body(%arg0: i32, %arg1: memref<1280x128xf32, #tpu.memory_space<vmem>>, %arg2: memref<1280x42xf32, #tpu.memory_space<vmem>>, %arg3: memref<42x8xf32, #tpu.memory_space<vmem>>, %arg4: memref<1024x128xbf16, #tpu.memory_space<vmem>>, %arg5: memref<1280x128xf32, #tpu.memory_space<vmem>>) attributes {dimension_semantics = [#tpu.dimension_semantics<arbitrary>], iteration_bounds = array<i64: 128>, scalar_prefetch = 0 : i64, scratch_operands = 0 : i64, tpu.core_type = #tpu.core_type<tc>, window_params = [{transform_indices = @transform_0, window_bounds = array<i64: 1280, 128>}, {transform_indices = @transform_1, window_bounds = array<i64: 1280, 42>}, {pipeline_mode = #tpu.pipeline_mode<synchronous>, transform_indices = @transform_2, window_bounds = array<i64: 42, 8>}, {pipeline_mode = #tpu.pipeline_mode<synchronous>, transform_indices = @transform_3, window_bounds = array<i64: 1024, 128>}, {transform_indices = @transform_4, window_bounds = array<i64: 1280, 128>}]} {
    %get3A = arith.constant 0 : index
    %get3A_0 = arith.constant 0 : index
    %get3A_1 = vector.load %arg1[%get3A, %get3A_0] : memref<1280x128xf32, #tpu.memory_space<vmem>>, vector<1280x128xf32>
    %get3A_2 = arith.constant 0 : index
    %get3A_3 = arith.constant 0 : index
    %get3A_4 = vector.load %arg2[%get3A_2, %get3A_3] : memref<1280x42xf32, #tpu.memory_space<vmem>>, vector<1280x42xf32>
    %get3A_5 = arith.constant 0 : index
    %get3A_6 = arith.constant 0 : index
    %get3A_7 = vector.load %arg3[%get3A_5, %get3A_6] : memref<42x8xf32, #tpu.memory_space<vmem>>, vector<42x8xf32>
    %dot_general3A = arith.constant dense<0.000000e+00> : vector<1280x8xf32>
    %dot_general3A_8 = tpu.matmul %get3A_4, %get3A_7, %dot_general3A {dimension_numbers = #tpu.dot_dimension_numbers<[1], [0], [0], [1], [0, 0, 1, 1], [], []>, transpose_lhs_hint = false} : vector<1280x42xf32>, vector<42x8xf32>, vector<1280x8xf32> -> vector<1280x8xf32>
    %slice3A = vector.extract_strided_slice %dot_general3A_8 {offsets = [0, 0], sizes = [1280, 1], strides = [1, 1]} : vector<1280x8xf32> to vector<1280x1xf32>
    %mul3A = vector.broadcast %slice3A : vector<1280x1xf32> to vector<1280x128xf32>
    %mul3A_9 = arith.mulf %get3A_1, %mul3A : vector<1280x128xf32>
    %slice3A_10 = vector.extract_strided_slice %dot_general3A_8 {offsets = [0, 1], sizes = [1280, 1], strides = [1, 1]} : vector<1280x8xf32> to vector<1280x1xf32>
    %mul3A_11 = vector.broadcast %slice3A_10 : vector<1280x1xf32> to vector<1280x128xf32>
    %mul3A_12 = arith.mulf %get3A_1, %mul3A_11 : vector<1280x128xf32>
    %slice3A_13 = vector.extract_strided_slice %dot_general3A_8 {offsets = [0, 2], sizes = [1280, 1], strides = [1, 1]} : vector<1280x8xf32> to vector<1280x1xf32>
    %mul3A_14 = vector.broadcast %slice3A_13 : vector<1280x1xf32> to vector<1280x128xf32>
    %mul3A_15 = arith.mulf %get3A_1, %mul3A_14 : vector<1280x128xf32>
    %slice3A_16 = vector.extract_strided_slice %dot_general3A_8 {offsets = [0, 3], sizes = [1280, 1], strides = [1, 1]} : vector<1280x8xf32> to vector<1280x1xf32>
    %mul3A_17 = vector.broadcast %slice3A_16 : vector<1280x1xf32> to vector<1280x128xf32>
    %mul3A_18 = arith.mulf %get3A_1, %mul3A_17 : vector<1280x128xf32>
    %slice3A_19 = vector.extract_strided_slice %dot_general3A_8 {offsets = [0, 4], sizes = [1280, 1], strides = [1, 1]} : vector<1280x8xf32> to vector<1280x1xf32>
    %mul3A_20 = vector.broadcast %slice3A_19 : vector<1280x1xf32> to vector<1280x128xf32>
    %mul3A_21 = arith.mulf %get3A_1, %mul3A_20 : vector<1280x128xf32>
    %slice3A_22 = vector.extract_strided_slice %dot_general3A_8 {offsets = [0, 5], sizes = [1280, 1], strides = [1, 1]} : vector<1280x8xf32> to vector<1280x1xf32>
    %mul3A_23 = vector.broadcast %slice3A_22 : vector<1280x1xf32> to vector<1280x128xf32>
    %mul3A_24 = arith.mulf %get3A_1, %mul3A_23 : vector<1280x128xf32>
    %slice3A_25 = vector.extract_strided_slice %dot_general3A_8 {offsets = [0, 6], sizes = [1280, 1], strides = [1, 1]} : vector<1280x8xf32> to vector<1280x1xf32>
    %mul3A_26 = vector.broadcast %slice3A_25 : vector<1280x1xf32> to vector<1280x128xf32>
    %mul3A_27 = arith.mulf %get3A_1, %mul3A_26 : vector<1280x128xf32>
    %slice3A_28 = vector.extract_strided_slice %dot_general3A_8 {offsets = [0, 7], sizes = [1280, 1], strides = [1, 1]} : vector<1280x8xf32> to vector<1280x1xf32>
    %mul3A_29 = vector.broadcast %slice3A_28 : vector<1280x1xf32> to vector<1280x128xf32>
    %mul3A_30 = arith.mulf %get3A_1, %mul3A_29 : vector<1280x128xf32>
    %concatenate3A = tpu.concatenate %mul3A_9, %mul3A_12, %mul3A_15, %mul3A_18, %mul3A_21, %mul3A_24, %mul3A_27, %mul3A_30 in 1 : vector<1280x128xf32>, vector<1280x128xf32>, vector<1280x128xf32>, vector<1280x128xf32>, vector<1280x128xf32>, vector<1280x128xf32>, vector<1280x128xf32>, vector<1280x128xf32> -> vector<1280x1024xf32>
    %convert_element_type3A = arith.truncf %concatenate3A : vector<1280x1024xf32> to vector<1280x1024xbf16>
    %get3A_31 = arith.constant 0 : index
    %get3A_32 = arith.constant 0 : index
    %get3A_33 = vector.load %arg4[%get3A_31, %get3A_32] : memref<1024x128xbf16, #tpu.memory_space<vmem>>, vector<1024x128xbf16>
    %dot_general3A_34 = arith.constant dense<0.000000e+00> : vector<1280x128xf32>
    %dot_general3A_35 = tpu.matmul %convert_element_type3A, %get3A_33, %dot_general3A_34 {dimension_numbers = #tpu.dot_dimension_numbers<[1], [0], [0], [1], [0, 0, 1, 1], [], []>, transpose_lhs_hint = false} : vector<1280x1024xbf16>, vector<1024x128xbf16>, vector<1280x128xf32> -> vector<1280x128xf32>
    %swap3A = arith.constant 0 : index
    %swap3A_36 = arith.constant 0 : index
    %swap3A_37 = vector.load %arg5[%swap3A, %swap3A_36] : memref<1280x128xf32, #tpu.memory_space<vmem>>, vector<1280x128xf32>
    tpu.vector_store %arg5[%swap3A, %swap3A_36], %dot_general3A_35 {strides = array<i32>} : memref<1280x128xf32, #tpu.memory_space<vmem>>, vector<1280x128xf32>,
    return
  }
  func.func @transform_0(%arg0: i32) -> (i32, i32) {
    %c0_i32 = arith.constant 0 : i32
    %c0_i32_0 = arith.constant 0 : i32
    return %arg0, %c0_i32 : i32, i32
  }
  func.func @transform_1(%arg0: i32) -> (i32, i32) {
    %min3A = arith.constant 124 : i32
    %min3A_0 = arith.minsi %arg0, %min3A : i32
    %c0_i32 = arith.constant 0 : i32
    %c0_i32_1 = arith.constant 0 : i32
    return %min3A_0, %c0_i32 : i32, i32
  }
  func.func @transform_2(%arg0: i32) -> (i32, i32) {
    %c0_i32 = arith.constant 0 : i32
    %c0_i32_0 = arith.constant 0 : i32
    %c0_i32_1 = arith.constant 0 : i32
    return %c0_i32, %c0_i32_0 : i32, i32
  }
  func.func @transform_3(%arg0: i32) -> (i32, i32) {
    %c0_i32 = arith.constant 0 : i32
    %c0_i32_0 = arith.constant 0 : i32
    %c0_i32_1 = arith.constant 0 : i32
    return %c0_i32, %c0_i32_0 : i32, i32
  }
  func.func @transform_4(%arg0: i32) -> (i32, i32) {
    %c0_i32 = arith.constant 0 : i32
    %c0_i32_0 = arith.constant 0 : i32
    return %arg0, %c0_i32 : i32, i32
  }
}

module attributes {stable_mosaic.version = 14 : i64} {
  func.func @_post_body(%arg0: i32, %arg1: memref<6400x128xf32, #tpu.memory_space<vmem>>, %arg2: memref<6400x128xf32, #tpu.memory_space<vmem>>, %arg3: memref<128x128xf32, #tpu.memory_space<vmem>>, %arg4: memref<1x128xf32, #tpu.memory_space<vmem>>, %arg5: memref<128x128xf32, #tpu.memory_space<vmem>>, %arg6: memref<1x128xf32, #tpu.memory_space<vmem>>, %arg7: memref<128x128xf32, #tpu.memory_space<vmem>>, %arg8: memref<1x128xf32, #tpu.memory_space<vmem>>, %arg9: memref<128x128xf32, #tpu.memory_space<vmem>>, %arg10: memref<1x128xf32, #tpu.memory_space<vmem>>, %arg11: memref<128x128xf32, #tpu.memory_space<vmem>>, %arg12: memref<1x128xf32, #tpu.memory_space<vmem>>, %arg13: memref<128x128xf32, #tpu.memory_space<vmem>>, %arg14: memref<1x128xf32, #tpu.memory_space<vmem>>, %arg15: memref<128x128xf32, #tpu.memory_space<vmem>>, %arg16: memref<1x128xf32, #tpu.memory_space<vmem>>, %arg17: memref<128x128xf32, #tpu.memory_space<vmem>>, %arg18: memref<1x128xf32, #tpu.memory_space<vmem>>, %arg19: memref<6400x128xf32, #tpu.memory_space<vmem>>) attributes {dimension_semantics = [#tpu.dimension_semantics<arbitrary>], iteration_bounds = array<i64: 25>, scalar_prefetch = 0 : i64, scratch_operands = 0 : i64, tpu.core_type = #tpu.core_type<tc>, window_params = [{transform_indices = @transform_0, window_bounds = array<i64: 6400, 128>}, {transform_indices = @transform_1, window_bounds = array<i64: 6400, 128>}, {pipeline_mode = #tpu.pipeline_mode<synchronous>, transform_indices = @transform_2, window_bounds = array<i64: 128, 128>}, {pipeline_mode = #tpu.pipeline_mode<synchronous>, transform_indices = @transform_3, window_bounds = array<i64: 1, 128>}, {pipeline_mode = #tpu.pipeline_mode<synchronous>, transform_indices = @transform_4, window_bounds = array<i64: 128, 128>}, {pipeline_mode = #tpu.pipeline_mode<synchronous>, transform_indices = @transform_5, window_bounds = array<i64: 1, 128>}, {pipeline_mode = #tpu.pipeline_mode<synchronous>, transform_indices = @transform_6, window_bounds = array<i64: 128, 128>}, {pipeline_mode = #tpu.pipeline_mode<synchronous>, transform_indices = @transform_7, window_bounds = array<i64: 1, 128>}, {pipeline_mode = #tpu.pipeline_mode<synchronous>, transform_indices = @transform_8, window_bounds = array<i64: 128, 128>}, {pipeline_mode = #tpu.pipeline_mode<synchronous>, transform_indices = @transform_9, window_bounds = array<i64: 1, 128>}, {pipeline_mode = #tpu.pipeline_mode<synchronous>, transform_indices = @transform_10, window_bounds = array<i64: 128, 128>}, {pipeline_mode = #tpu.pipeline_mode<synchronous>, transform_indices = @transform_11, window_bounds = array<i64: 1, 128>}, {pipeline_mode = #tpu.pipeline_mode<synchronous>, transform_indices = @transform_12, window_bounds = array<i64: 128, 128>}, {pipeline_mode = #tpu.pipeline_mode<synchronous>, transform_indices = @transform_13, window_bounds = array<i64: 1, 128>}, {pipeline_mode = #tpu.pipeline_mode<synchronous>, transform_indices = @transform_14, window_bounds = array<i64: 128, 128>}, {pipeline_mode = #tpu.pipeline_mode<synchronous>, transform_indices = @transform_15, window_bounds = array<i64: 1, 128>}, {pipeline_mode = #tpu.pipeline_mode<synchronous>, transform_indices = @transform_16, window_bounds = array<i64: 128, 128>}, {pipeline_mode = #tpu.pipeline_mode<synchronous>, transform_indices = @transform_17, window_bounds = array<i64: 1, 128>}, {transform_indices = @transform_18, window_bounds = array<i64: 6400, 128>}]} {
    %get3A = arith.constant 0 : index
    %get3A_0 = arith.constant 0 : index
    %get3A_1 = vector.load %arg2[%get3A, %get3A_0] : memref<6400x128xf32, #tpu.memory_space<vmem>>, vector<6400x128xf32>
    %get3A_2 = arith.constant 0 : index
    %get3A_3 = arith.constant 0 : index
    %get3A_4 = vector.load %arg3[%get3A_2, %get3A_3] : memref<128x128xf32, #tpu.memory_space<vmem>>, vector<128x128xf32>
    %dot_general3A = arith.constant dense<0.000000e+00> : vector<6400x128xf32>
    %dot_general3A_5 = tpu.matmul %get3A_1, %get3A_4, %dot_general3A {dimension_numbers = #tpu.dot_dimension_numbers<[1], [0], [0], [1], [0, 0, 1, 1], [], []>, transpose_lhs_hint = false} : vector<6400x128xf32>, vector<128x128xf32>, vector<6400x128xf32> -> vector<6400x128xf32>
    %get3A_6 = arith.constant 0 : index
    %get3A_7 = arith.constant 0 : index
    %get3A_8 = vector.load %arg4[%get3A_6, %get3A_7] : memref<1x128xf32, #tpu.memory_space<vmem>>, vector<1x128xf32>
    %add3A = vector.broadcast %get3A_8 : vector<1x128xf32> to vector<6400x128xf32>
    %add3A_9 = arith.addf %dot_general3A_5, %add3A : vector<6400x128xf32>
    %neg3A = arith.constant 0.000000e+00 : f32
    %neg3A_10 = vector.broadcast %neg3A : f32 to vector<6400x128xf32>
    %neg3A_11 = arith.subf %neg3A_10, %add3A_9 : vector<6400x128xf32>
    %exp3A = math.exp %neg3A_11 : vector<6400x128xf32>
    %add3A_12 = arith.constant 1.000000e+00 : f32
    %add3A_13 = vector.broadcast %add3A_12 : f32 to vector<6400x128xf32>
    %add3A_14 = arith.addf %add3A_13, %exp3A : vector<6400x128xf32>
    %div3A = arith.constant 1.000000e+00 : f32
    %div3A_15 = vector.broadcast %div3A : f32 to vector<6400x128xf32>
    %div3A_16 = arith.divf %div3A_15, %add3A_14 : vector<6400x128xf32>
    %mul3A = arith.mulf %add3A_9, %div3A_16 : vector<6400x128xf32>
    %get3A_17 = arith.constant 0 : index
    %get3A_18 = arith.constant 0 : index
    %get3A_19 = vector.load %arg1[%get3A_17, %get3A_18] : memref<6400x128xf32, #tpu.memory_space<vmem>>, vector<6400x128xf32>
    %add3A_20 = arith.addf %mul3A, %get3A_19 : vector<6400x128xf32>
    %get3A_21 = arith.constant 0 : index
    %get3A_22 = arith.constant 0 : index
    %get3A_23 = vector.load %arg5[%get3A_21, %get3A_22] : memref<128x128xf32, #tpu.memory_space<vmem>>, vector<128x128xf32>
    %dot_general3A_24 = arith.constant dense<0.000000e+00> : vector<6400x128xf32>
    %dot_general3A_25 = tpu.matmul %add3A_20, %get3A_23, %dot_general3A_24 {dimension_numbers = #tpu.dot_dimension_numbers<[1], [0], [0], [1], [0, 0, 1, 1], [], []>, transpose_lhs_hint = false} : vector<6400x128xf32>, vector<128x128xf32>, vector<6400x128xf32> -> vector<6400x128xf32>
    %get3A_26 = arith.constant 0 : index
    %get3A_27 = arith.constant 0 : index
    %get3A_28 = vector.load %arg6[%get3A_26, %get3A_27] : memref<1x128xf32, #tpu.memory_space<vmem>>, vector<1x128xf32>
    %add3A_29 = vector.broadcast %get3A_28 : vector<1x128xf32> to vector<6400x128xf32>
    %add3A_30 = arith.addf %dot_general3A_25, %add3A_29 : vector<6400x128xf32>
    %neg3A_31 = arith.constant 0.000000e+00 : f32
    %neg3A_32 = vector.broadcast %neg3A_31 : f32 to vector<6400x128xf32>
    %neg3A_33 = arith.subf %neg3A_32, %add3A_30 : vector<6400x128xf32>
    %exp3A_34 = math.exp %neg3A_33 : vector<6400x128xf32>
    %add3A_35 = arith.constant 1.000000e+00 : f32
    %add3A_36 = vector.broadcast %add3A_35 : f32 to vector<6400x128xf32>
    %add3A_37 = arith.addf %add3A_36, %exp3A_34 : vector<6400x128xf32>
    %div3A_38 = arith.constant 1.000000e+00 : f32
    %div3A_39 = vector.broadcast %div3A_38 : f32 to vector<6400x128xf32>
    %div3A_40 = arith.divf %div3A_39, %add3A_37 : vector<6400x128xf32>
    %mul3A_41 = arith.mulf %add3A_30, %div3A_40 : vector<6400x128xf32>
    %get3A_42 = arith.constant 0 : index
    %get3A_43 = arith.constant 0 : index
    %get3A_44 = vector.load %arg7[%get3A_42, %get3A_43] : memref<128x128xf32, #tpu.memory_space<vmem>>, vector<128x128xf32>
    %dot_general3A_45 = arith.constant dense<0.000000e+00> : vector<6400x128xf32>
    %dot_general3A_46 = tpu.matmul %mul3A_41, %get3A_44, %dot_general3A_45 {dimension_numbers = #tpu.dot_dimension_numbers<[1], [0], [0], [1], [0, 0, 1, 1], [], []>, transpose_lhs_hint = false} : vector<6400x128xf32>, vector<128x128xf32>, vector<6400x128xf32> -> vector<6400x128xf32>
    %get3A_47 = arith.constant 0 : index
    %get3A_48 = arith.constant 0 : index
    %get3A_49 = vector.load %arg8[%get3A_47, %get3A_48] : memref<1x128xf32, #tpu.memory_space<vmem>>, vector<1x128xf32>
    %add3A_50 = vector.broadcast %get3A_49 : vector<1x128xf32> to vector<6400x128xf32>
    %add3A_51 = arith.addf %dot_general3A_46, %add3A_50 : vector<6400x128xf32>
    %neg3A_52 = arith.constant 0.000000e+00 : f32
    %neg3A_53 = vector.broadcast %neg3A_52 : f32 to vector<6400x128xf32>
    %neg3A_54 = arith.subf %neg3A_53, %add3A_51 : vector<6400x128xf32>
    %exp3A_55 = math.exp %neg3A_54 : vector<6400x128xf32>
    %add3A_56 = arith.constant 1.000000e+00 : f32
    %add3A_57 = vector.broadcast %add3A_56 : f32 to vector<6400x128xf32>
    %add3A_58 = arith.addf %add3A_57, %exp3A_55 : vector<6400x128xf32>
    %div3A_59 = arith.constant 1.000000e+00 : f32
    %div3A_60 = vector.broadcast %div3A_59 : f32 to vector<6400x128xf32>
    %div3A_61 = arith.divf %div3A_60, %add3A_58 : vector<6400x128xf32>
    %mul3A_62 = arith.mulf %add3A_51, %div3A_61 : vector<6400x128xf32>
    %add3A_63 = arith.addf %add3A_20, %mul3A_62 : vector<6400x128xf32>
    %get3A_64 = arith.constant 0 : index
    %get3A_65 = arith.constant 0 : index
    %get3A_66 = vector.load %arg9[%get3A_64, %get3A_65] : memref<128x128xf32, #tpu.memory_space<vmem>>, vector<128x128xf32>
    %dot_general3A_67 = arith.constant dense<0.000000e+00> : vector<6400x128xf32>
    %dot_general3A_68 = tpu.matmul %add3A_63, %get3A_66, %dot_general3A_67 {dimension_numbers = #tpu.dot_dimension_numbers<[1], [0], [0], [1], [0, 0, 1, 1], [], []>, transpose_lhs_hint = false} : vector<6400x128xf32>, vector<128x128xf32>, vector<6400x128xf32> -> vector<6400x128xf32>
    %get3A_69 = arith.constant 0 : index
    %get3A_70 = arith.constant 0 : index
    %get3A_71 = vector.load %arg10[%get3A_69, %get3A_70] : memref<1x128xf32, #tpu.memory_space<vmem>>, vector<1x128xf32>
    %add3A_72 = vector.broadcast %get3A_71 : vector<1x128xf32> to vector<6400x128xf32>
    %add3A_73 = arith.addf %dot_general3A_68, %add3A_72 : vector<6400x128xf32>
    %neg3A_74 = arith.constant 0.000000e+00 : f32
    %neg3A_75 = vector.broadcast %neg3A_74 : f32 to vector<6400x128xf32>
    %neg3A_76 = arith.subf %neg3A_75, %add3A_73 : vector<6400x128xf32>
    %exp3A_77 = math.exp %neg3A_76 : vector<6400x128xf32>
    %add3A_78 = arith.constant 1.000000e+00 : f32
    %add3A_79 = vector.broadcast %add3A_78 : f32 to vector<6400x128xf32>
    %add3A_80 = arith.addf %add3A_79, %exp3A_77 : vector<6400x128xf32>
    %div3A_81 = arith.constant 1.000000e+00 : f32
    %div3A_82 = vector.broadcast %div3A_81 : f32 to vector<6400x128xf32>
    %div3A_83 = arith.divf %div3A_82, %add3A_80 : vector<6400x128xf32>
    %mul3A_84 = arith.mulf %add3A_73, %div3A_83 : vector<6400x128xf32>
    %get3A_85 = arith.constant 0 : index
    %get3A_86 = arith.constant 0 : index
    %get3A_87 = vector.load %arg2[%get3A_85, %get3A_86] : memref<6400x128xf32, #tpu.memory_space<vmem>>, vector<6400x128xf32>
    %add3A_88 = arith.addf %mul3A_84, %get3A_87 : vector<6400x128xf32>
    %get3A_89 = arith.constant 0 : index
    %get3A_90 = arith.constant 0 : index
    %get3A_91 = vector.load %arg11[%get3A_89, %get3A_90] : memref<128x128xf32, #tpu.memory_space<vmem>>, vector<128x128xf32>
    %dot_general3A_92 = arith.constant dense<0.000000e+00> : vector<6400x128xf32>
    %dot_general3A_93 = tpu.matmul %add3A_88, %get3A_91, %dot_general3A_92 {dimension_numbers = #tpu.dot_dimension_numbers<[1], [0], [0], [1], [0, 0, 1, 1], [], []>, transpose_lhs_hint = false} : vector<6400x128xf32>, vector<128x128xf32>, vector<6400x128xf32> -> vector<6400x128xf32>
    %get3A_94 = arith.constant 0 : index
    %get3A_95 = arith.constant 0 : index
    %get3A_96 = vector.load %arg12[%get3A_94, %get3A_95] : memref<1x128xf32, #tpu.memory_space<vmem>>, vector<1x128xf32>
    %add3A_97 = vector.broadcast %get3A_96 : vector<1x128xf32> to vector<6400x128xf32>
    %add3A_98 = arith.addf %dot_general3A_93, %add3A_97 : vector<6400x128xf32>
    %neg3A_99 = arith.constant 0.000000e+00 : f32
    %neg3A_100 = vector.broadcast %neg3A_99 : f32 to vector<6400x128xf32>
    %neg3A_101 = arith.subf %neg3A_100, %add3A_98 : vector<6400x128xf32>
    %exp3A_102 = math.exp %neg3A_101 : vector<6400x128xf32>
    %add3A_103 = arith.constant 1.000000e+00 : f32
    %add3A_104 = vector.broadcast %add3A_103 : f32 to vector<6400x128xf32>
    %add3A_105 = arith.addf %add3A_104, %exp3A_102 : vector<6400x128xf32>
    %div3A_106 = arith.constant 1.000000e+00 : f32
    %div3A_107 = vector.broadcast %div3A_106 : f32 to vector<6400x128xf32>
    %div3A_108 = arith.divf %div3A_107, %add3A_105 : vector<6400x128xf32>
    %mul3A_109 = arith.mulf %add3A_98, %div3A_108 : vector<6400x128xf32>
    %get3A_110 = arith.constant 0 : index
    %get3A_111 = arith.constant 0 : index
    %get3A_112 = vector.load %arg13[%get3A_110, %get3A_111] : memref<128x128xf32, #tpu.memory_space<vmem>>, vector<128x128xf32>
    %dot_general3A_113 = arith.constant dense<0.000000e+00> : vector<6400x128xf32>
    %dot_general3A_114 = tpu.matmul %mul3A_109, %get3A_112, %dot_general3A_113 {dimension_numbers = #tpu.dot_dimension_numbers<[1], [0], [0], [1], [0, 0, 1, 1], [], []>, transpose_lhs_hint = false} : vector<6400x128xf32>, vector<128x128xf32>, vector<6400x128xf32> -> vector<6400x128xf32>
    %get3A_115 = arith.constant 0 : index
    %get3A_116 = arith.constant 0 : index
    %get3A_117 = vector.load %arg14[%get3A_115, %get3A_116] : memref<1x128xf32, #tpu.memory_space<vmem>>, vector<1x128xf32>
    %add3A_118 = vector.broadcast %get3A_117 : vector<1x128xf32> to vector<6400x128xf32>
    %add3A_119 = arith.addf %dot_general3A_114, %add3A_118 : vector<6400x128xf32>
    %neg3A_120 = arith.constant 0.000000e+00 : f32
    %neg3A_121 = vector.broadcast %neg3A_120 : f32 to vector<6400x128xf32>
    %neg3A_122 = arith.subf %neg3A_121, %add3A_119 : vector<6400x128xf32>
    %exp3A_123 = math.exp %neg3A_122 : vector<6400x128xf32>
    %add3A_124 = arith.constant 1.000000e+00 : f32
    %add3A_125 = vector.broadcast %add3A_124 : f32 to vector<6400x128xf32>
    %add3A_126 = arith.addf %add3A_125, %exp3A_123 : vector<6400x128xf32>
    %div3A_127 = arith.constant 1.000000e+00 : f32
    %div3A_128 = vector.broadcast %div3A_127 : f32 to vector<6400x128xf32>
    %div3A_129 = arith.divf %div3A_128, %add3A_126 : vector<6400x128xf32>
    %mul3A_130 = arith.mulf %add3A_119, %div3A_129 : vector<6400x128xf32>
    %add3A_131 = arith.addf %add3A_88, %mul3A_130 : vector<6400x128xf32>
    %get3A_132 = arith.constant 0 : index
    %get3A_133 = arith.constant 0 : index
    %get3A_134 = vector.load %arg15[%get3A_132, %get3A_133] : memref<128x128xf32, #tpu.memory_space<vmem>>, vector<128x128xf32>
    %dot_general3A_135 = arith.constant dense<0.000000e+00> : vector<6400x128xf32>
    %dot_general3A_136 = tpu.matmul %add3A_131, %get3A_134, %dot_general3A_135 {dimension_numbers = #tpu.dot_dimension_numbers<[1], [0], [0], [1], [0, 0, 1, 1], [], []>, transpose_lhs_hint = false} : vector<6400x128xf32>, vector<128x128xf32>, vector<6400x128xf32> -> vector<6400x128xf32>
    %get3A_137 = arith.constant 0 : index
    %get3A_138 = arith.constant 0 : index
    %get3A_139 = vector.load %arg16[%get3A_137, %get3A_138] : memref<1x128xf32, #tpu.memory_space<vmem>>, vector<1x128xf32>
    %add3A_140 = vector.broadcast %get3A_139 : vector<1x128xf32> to vector<6400x128xf32>
    %add3A_141 = arith.addf %dot_general3A_136, %add3A_140 : vector<6400x128xf32>
    %neg3A_142 = arith.constant 0.000000e+00 : f32
    %neg3A_143 = vector.broadcast %neg3A_142 : f32 to vector<6400x128xf32>
    %neg3A_144 = arith.subf %neg3A_143, %add3A_141 : vector<6400x128xf32>
    %exp3A_145 = math.exp %neg3A_144 : vector<6400x128xf32>
    %add3A_146 = arith.constant 1.000000e+00 : f32
    %add3A_147 = vector.broadcast %add3A_146 : f32 to vector<6400x128xf32>
    %add3A_148 = arith.addf %add3A_147, %exp3A_145 : vector<6400x128xf32>
    %div3A_149 = arith.constant 1.000000e+00 : f32
    %div3A_150 = vector.broadcast %div3A_149 : f32 to vector<6400x128xf32>
    %div3A_151 = arith.divf %div3A_150, %add3A_148 : vector<6400x128xf32>
    %mul3A_152 = arith.mulf %add3A_141, %div3A_151 : vector<6400x128xf32>
    %get3A_153 = arith.constant 0 : index
    %get3A_154 = arith.constant 0 : index
    %get3A_155 = vector.load %arg17[%get3A_153, %get3A_154] : memref<128x128xf32, #tpu.memory_space<vmem>>, vector<128x128xf32>
    %dot_general3A_156 = arith.constant dense<0.000000e+00> : vector<6400x128xf32>
    %dot_general3A_157 = tpu.matmul %mul3A_152, %get3A_155, %dot_general3A_156 {dimension_numbers = #tpu.dot_dimension_numbers<[1], [0], [0], [1], [0, 0, 1, 1], [], []>, transpose_lhs_hint = false} : vector<6400x128xf32>, vector<128x128xf32>, vector<6400x128xf32> -> vector<6400x128xf32>
    %get3A_158 = arith.constant 0 : index
    %get3A_159 = arith.constant 0 : index
    %get3A_160 = vector.load %arg18[%get3A_158, %get3A_159] : memref<1x128xf32, #tpu.memory_space<vmem>>, vector<1x128xf32>
    %add3A_161 = vector.broadcast %get3A_160 : vector<1x128xf32> to vector<6400x128xf32>
    %add3A_162 = arith.addf %dot_general3A_157, %add3A_161 : vector<6400x128xf32>
    %neg3A_163 = arith.constant 0.000000e+00 : f32
    %neg3A_164 = vector.broadcast %neg3A_163 : f32 to vector<6400x128xf32>
    %neg3A_165 = arith.subf %neg3A_164, %add3A_162 : vector<6400x128xf32>
    %exp3A_166 = math.exp %neg3A_165 : vector<6400x128xf32>
    %add3A_167 = arith.constant 1.000000e+00 : f32
    %add3A_168 = vector.broadcast %add3A_167 : f32 to vector<6400x128xf32>
    %add3A_169 = arith.addf %add3A_168, %exp3A_166 : vector<6400x128xf32>
    %div3A_170 = arith.constant 1.000000e+00 : f32
    %div3A_171 = vector.broadcast %div3A_170 : f32 to vector<6400x128xf32>
    %div3A_172 = arith.divf %div3A_171, %add3A_169 : vector<6400x128xf32>
    %mul3A_173 = arith.mulf %add3A_162, %div3A_172 : vector<6400x128xf32>
    %add3A_174 = arith.addf %add3A_131, %mul3A_173 : vector<6400x128xf32>
    %swap3A = arith.constant 0 : index
    %swap3A_175 = arith.constant 0 : index
    %swap3A_176 = vector.load %arg19[%swap3A, %swap3A_175] : memref<6400x128xf32, #tpu.memory_space<vmem>>, vector<6400x128xf32>
    tpu.vector_store %arg19[%swap3A, %swap3A_175], %add3A_174 {strides = array<i32>} : memref<6400x128xf32, #tpu.memory_space<vmem>>, vector<6400x128xf32>,
    return
  }
  func.func @transform_0(%arg0: i32) -> (i32, i32) {
    %c0_i32 = arith.constant 0 : i32
    %c0_i32_0 = arith.constant 0 : i32
    return %arg0, %c0_i32 : i32, i32
  }
  func.func @transform_1(%arg0: i32) -> (i32, i32) {
    %c0_i32 = arith.constant 0 : i32
    %c0_i32_0 = arith.constant 0 : i32
    return %arg0, %c0_i32 : i32, i32
  }
  func.func @transform_2(%arg0: i32) -> (i32, i32) {
    %c0_i32 = arith.constant 0 : i32
    %c0_i32_0 = arith.constant 0 : i32
    %c0_i32_1 = arith.constant 0 : i32
    return %c0_i32, %c0_i32_0 : i32, i32
  }
  func.func @transform_3(%arg0: i32) -> (i32, i32) {
    %c0_i32 = arith.constant 0 : i32
    %c0_i32_0 = arith.constant 0 : i32
    %c0_i32_1 = arith.constant 0 : i32
    return %c0_i32, %c0_i32_0 : i32, i32
  }
  func.func @transform_4(%arg0: i32) -> (i32, i32) {
    %c0_i32 = arith.constant 0 : i32
    %c0_i32_0 = arith.constant 0 : i32
    %c0_i32_1 = arith.constant 0 : i32
    return %c0_i32, %c0_i32_0 : i32, i32
  }
  func.func @transform_5(%arg0: i32) -> (i32, i32) {
    %c0_i32 = arith.constant 0 : i32
    %c0_i32_0 = arith.constant 0 : i32
    %c0_i32_1 = arith.constant 0 : i32
    return %c0_i32, %c0_i32_0 : i32, i32
  }
  func.func @transform_6(%arg0: i32) -> (i32, i32) {
    %c0_i32 = arith.constant 0 : i32
    %c0_i32_0 = arith.constant 0 : i32
    %c0_i32_1 = arith.constant 0 : i32
    return %c0_i32, %c0_i32_0 : i32, i32
  }
  func.func @transform_7(%arg0: i32) -> (i32, i32) {
    %c0_i32 = arith.constant 0 : i32
    %c0_i32_0 = arith.constant 0 : i32
    %c0_i32_1 = arith.constant 0 : i32
    return %c0_i32, %c0_i32_0 : i32, i32
  }
  func.func @transform_8(%arg0: i32) -> (i32, i32) {
    %c0_i32 = arith.constant 0 : i32
    %c0_i32_0 = arith.constant 0 : i32
    %c0_i32_1 = arith.constant 0 : i32
    return %c0_i32, %c0_i32_0 : i32, i32
  }
  func.func @transform_9(%arg0: i32) -> (i32, i32) {
    %c0_i32 = arith.constant 0 : i32
    %c0_i32_0 = arith.constant 0 : i32
    %c0_i32_1 = arith.constant 0 : i32
    return %c0_i32, %c0_i32_0 : i32, i32
  }
  func.func @transform_10(%arg0: i32) -> (i32, i32) {
    %c0_i32 = arith.constant 0 : i32
    %c0_i32_0 = arith.constant 0 : i32
    %c0_i32_1 = arith.constant 0 : i32
    return %c0_i32, %c0_i32_0 : i32, i32
  }
  func.func @transform_11(%arg0: i32) -> (i32, i32) {
    %c0_i32 = arith.constant 0 : i32
    %c0_i32_0 = arith.constant 0 : i32
    %c0_i32_1 = arith.constant 0 : i32
    return %c0_i32, %c0_i32_0 : i32, i32
  }
  func.func @transform_12(%arg0: i32) -> (i32, i32) {
    %c0_i32 = arith.constant 0 : i32
    %c0_i32_0 = arith.constant 0 : i32
    %c0_i32_1 = arith.constant 0 : i32
    return %c0_i32, %c0_i32_0 : i32, i32
  }
  func.func @transform_13(%arg0: i32) -> (i32, i32) {
    %c0_i32 = arith.constant 0 : i32
    %c0_i32_0 = arith.constant 0 : i32
    %c0_i32_1 = arith.constant 0 : i32
    return %c0_i32, %c0_i32_0 : i32, i32
  }
  func.func @transform_14(%arg0: i32) -> (i32, i32) {
    %c0_i32 = arith.constant 0 : i32
    %c0_i32_0 = arith.constant 0 : i32
    %c0_i32_1 = arith.constant 0 : i32
    return %c0_i32, %c0_i32_0 : i32, i32
  }
  func.func @transform_15(%arg0: i32) -> (i32, i32) {
    %c0_i32 = arith.constant 0 : i32
    %c0_i32_0 = arith.constant 0 : i32
    %c0_i32_1 = arith.constant 0 : i32
    return %c0_i32, %c0_i32_0 : i32, i32
  }
  func.func @transform_16(%arg0: i32) -> (i32, i32) {
    %c0_i32 = arith.constant 0 : i32
    %c0_i32_0 = arith.constant 0 : i32
    %c0_i32_1 = arith.constant 0 : i32
    return %c0_i32, %c0_i32_0 : i32, i32
  }
  func.func @transform_17(%arg0: i32) -> (i32, i32) {
    %c0_i32 = arith.constant 0 : i32
    %c0_i32_0 = arith.constant 0 : i32
    %c0_i32_1 = arith.constant 0 : i32
    return %c0_i32, %c0_i32_0 : i32, i32
  }
  func.func @transform_18(%arg0: i32) -> (i32, i32) {
    %c0_i32 = arith.constant 0 : i32
    %c0_i32_0 = arith.constant 0 : i32
    return %arg0, %c0_i32 : i32, i32
  }
}

</mosaic_0001>

<sc_bundles>
// kernel: kernel.10.cloned.1.call-start
scs
__scs_entry_jumppad:
0x0: {  	(pc) =	sbr.rel $0x88, $3  }
0x1: {  	(tag) =	ssettag $0x0;
	lr =	simm.s32 $0x1  }
0x2: {  	[smem:$0x3F8B] =	sst lr;
	_ =	strace $0xD0000000  }
0x3: {  	_ = 	snop  }
0x4: {  	_ = 	snop  }
0x5: {  	_ = 	snop  }
0x6: {  	_ = 	snop  }
0x7: {  	_ = 	snop  }
__scs_overlays_trampoline_lowered:
0x8: {  	[smem:$0x3F9A] =	sst s0  }
0x9: {  	[smem:$0x3F9B] =	sst s1  }
0xa: {  	[smem:$0x3F9C] =	sst s2  }
0xb: {  	[smem:$0x3F9D] =	sst s3  }
0xc: {  	[smem:$0x3F9E] =	sst s4  }
0xd: {  	[smem:$0x3F9F] =	sst s5  }
0xe: {  	[smem:$0x3FA0] =	sst s6  }
0xf: {  	[smem:$0x3FA1] =	sst s7  }
0x10: {  	[smem:$0x3FA2] =	sst s8  }
0x11: {  	[smem:$0x3FA3] =	sst s9;
	s0 =	simm.s32 @!p0 $0x0  }
0x12: {  	s1 =	sld [smem:$0x3F89];
	s0 =	simm.s32 @p0 $0x1  }
0x13: {  	[smem:$0x3FA4] =	sst s0;
	s0 =	simm.s32 @!p1 $0x0  }
0x14: {  	s2 =	sld [smem:$0x3F88];
	s0 =	simm.s32 @p1 $0x1  }
0x15: {  	[smem:$0x3FA5] =	sst s0;
	s0 =	simm.s32 @!p2 $0x0  }
0x16: {  	s3 =	sld [smem:$0x3FDB];
	s0 =	simm.s32 @p2 $0x1  }
0x17: {  	s4 =	simm.s32 $0x1BF5;
	[smem:$0x3FA7] =	sst s0  }
0x18: {  	s0 =	sld [smem:$0x3F8A];
	_ =	swait.ge [sflag:s4], $0x0  }
0x19: {  	s7 =	sld [smem:$0x3F8B]  }
0x1a: {  	s8 =	sadd.s32 $0xFFFFE003, lr  }
0x1b: {  	s9 =	sadd.s32 $0xFFFFFEF7, lr;
	s5 =	simm.s32 $0xFFFFFFFF;
	p2 =	slt.u32 s8, $0xFFFFF086  }
0x1c: {  	p1 =	slt.u32 s9, $0xF7A;
	s5 =	simm.s32 @!p2 $0x0  }
0x1d: {  	s5 =	simm.s32 @p1 $0x1;
	p0 =	seq.s32 s7, s2  }
0x1e: {  	s7 =	smul.u32 @!p0 $0xF7A, s2;
	p2 =	seq.s32 @!p0 s5, $0x0  }
0x1f: {  	s9 =	smul.u32 $0xF7A, s1;
	s8 =	simm.s32 @!p0 $0x1BF5;
	p2 =	por !p2, p0  }
0x20: {  	[sflag:s8] =	ssyncset.s32 @!p0 $0xFFFFF086;
	s6 =	sadd.s32 @!p0 s3, s7;
	s7 =	simm.s32 @!p0 $0x108  }
0x21: {  	s3 =	sadd.s32 s3, s9;
	s6 =	sadd.s32 @!p0 $0x88, s6;
	s7 =	simm.s32 @p2 $0x1082  }
0x22: {  	[simem:s7], [sflag:s8] =	dma.local @!p0 [hbm:s6], $0xF7A  }
0x23: {  	s9 =	sor.u32 $0xD0000000, s2;
	s6 =	simm.s32 $0x108;
	_ =	swait.ge @!p0 [sflag:s8], $0x0  }
0x24: {  	s3 =	sadd.s32 $0x88, s3;
	s6 =	simm.s32 @!p1 $0x1082;
	[sflag:s4] =	ssyncset.s32 $0xFFFFF086  }
0x25: {  	[simem:s6], [sflag:s4] =	dma.local [hbm:s3], $0xF7A  }
0x26: {  	[smem:$0x3F8B] =	sst s1;
	(tag) =	ssettag s2;
	_ =	strace s9  }
0x27: {  	s1 =	sld [smem:$0x3F9B]  }
0x28: {  	s2 =	sld [smem:$0x3F9C]  }
0x29: {  	s4 =	sld [smem:$0x3F9E]  }
0x2a: {  	p0 =	seq.s32 s5, $0x0;
	s5 =	sld [smem:$0x3F9F]  }
0x2b: {  	s6 =	sld [smem:$0x3FA0]  }
0x2c: {  	s7 =	sld [smem:$0x3FA1]  }
0x2d: {  	s3 =	simm.s32 $0x108;
	s8 =	sld [smem:$0x3FA2]  }
0x2e: {  	s3 =	simm.s32 @!p0 $0x1082;
	s9 =	sld [smem:$0x3FA3]  }
0x2f: {  	lr =	sadd.s32 s0, s3;
	s0 =	sld [smem:$0x3F9A]  }
0x30: {  	s3 =	sld [smem:$0x3F9D]  }
0x31: {  	[smem:$0x3FA6] =	sst s10  }
0x32: {  	s10 =	sld [smem:$0x3FA4];
	_ =	sdelay $0x3  }
0x33: {  	p0 =	seq.s32 s10, $0x1;
	s10 =	sld [smem:$0x3FA6];
	_ =	sdelay $0x3  }
0x34: {  	[smem:$0x3FA6] =	sst s10  }
0x35: {  	s10 =	sld [smem:$0x3FA5];
	_ =	sdelay $0x3  }
0x36: {  	p1 =	seq.s32 s10, $0x1;
	s10 =	sld [smem:$0x3FA6];
	_ =	sdelay $0x3  }
0x37: {  	[smem:$0x3FA6] =	sst s10  }
0x38: {  	s10 =	sld [smem:$0x3FA7]  }
0x39: {  	_ = 	snop;
	(pc) =	sbr.ind lr, $3  }
0x3a: {  	_ = 	snop  }
0x3b: {  	_ = 	snop  }
0x3c: {  	p2 =	seq.s32 s10, $0x1;
	s10 =	sld [smem:$0x3FA6]  }
0x3d: {  	_ =	shalt  }
0x3e: {  	_ =	shalt  }
0x3f: {  	_ =	shalt  }
0x40: {  	_ =	shalt  }
0x41: {  	_ =	shalt  }
0x42: {  	_ =	shalt  }
0x43: {  	_ =	shalt  }
0x44: {  	_ =	shalt  }
0x45: {  	_ =	shalt  }
0x46: {  	_ =	shalt  }
0x47: {  	_ =	shalt  }
0x48: {  	_ =	shalt  }
0x49: {  	_ =	shalt  }
0x4a: {  	_ =	shalt  }
0x4b: {  	_ =	shalt  }
0x4c: {  	_ =	shalt  }
0x4d: {  	_ =	shalt  }
0x4e: {  	_ =	shalt  }
0x4f: {  	_ =	shalt  }
0x50: {  	_ =	shalt  }
0x51: {  	_ =	shalt  }
0x52: {  	_ =	shalt  }
0x53: {  	_ =	shalt  }
0x54: {  	_ =	shalt  }
0x55: {  	_ =	shalt  }
0x56: {  	_ =	shalt  }
0x57: {  	_ =	shalt  }
0x58: {  	_ =	shalt  }
0x59: {  	_ =	shalt  }
0x5a: {  	_ =	shalt  }
0x5b: {  	_ =	shalt  }
0x5c: {  	_ =	shalt  }
0x5d: {  	_ =	shalt  }
0x5e: {  	_ =	shalt  }
0x5f: {  	_ =	shalt  }
0x60: {  	_ =	shalt  }
0x61: {  	_ =	shalt  }
0x62: {  	_ =	shalt  }
0x63: {  	_ =	shalt  }
0x64: {  	_ =	shalt  }
0x65: {  	_ =	shalt  }
0x66: {  	_ =	shalt  }
0x67: {  	_ =	shalt  }
0x68: {  	_ =	shalt  }
0x69: {  	_ =	shalt  }
0x6a: {  	_ =	shalt  }
0x6b: {  	_ =	shalt  }
0x6c: {  	_ =	shalt  }
0x6d: {  	_ =	shalt  }
0x6e: {  	_ =	shalt  }
0x6f: {  	_ =	shalt  }
0x70: {  	_ =	shalt  }
0x71: {  	_ =	shalt  }
0x72: {  	_ =	shalt  }
0x73: {  	_ =	shalt  }
0x74: {  	_ =	shalt  }
0x75: {  	_ =	shalt  }
0x76: {  	_ =	shalt  }
0x77: {  	_ =	shalt  }
0x78: {  	_ =	shalt  }
0x79: {  	_ =	shalt  }
0x7a: {  	_ =	shalt  }
0x7b: {  	_ =	shalt  }
0x7c: {  	_ =	shalt  }
0x7d: {  	_ =	shalt  }
0x7e: {  	_ =	shalt  }
0x7f: {  	_ =	shalt  }
0x80: {  	_ =	shalt  }
0x81: {  	_ =	shalt  }
0x82: {  	_ =	shalt  }
0x83: {  	_ =	shalt  }
0x84: {  	_ =	shalt  }
0x85: {  	_ =	shalt  }
0x86: {  	_ =	shalt  }
0x87: {  	_ =	shalt  }
.Lfunc_end0:
.L_simem_size_0:
called_computation.1_lowered:
.L_overlay_start_0:
0x88: {  	s2 =	sld [smem:$0x3FD9]  }
0x89: {  	s3 =	sld [smem:$0x3FFE];
	_ =	sdelay $0x1  }
0x8a: {  	s1 =	srdreg.scid  }
0x8b: {  	s0 =	sand.u32 $0x1, s1  }
0x8c: {  	s17 =	sshll.u32 s0, $0xA;
	s2 =	sadd.s32 s3, s2  }
0x8d: {  	s2 =	sadd.s32 s2, s17  }
0x8e: {  	[smem:$0x3FB2] =	sst s2  }
0x8f: {  	_ = 	snop  }
0x90: {  	s2 =	sld [smem:$0x3FD0];
	(tm) =	ssettm $0x1  }
0x91: {  	s18 =	sld [smem:$0x3FFB];
	_ =	sdelay $0x3  }
0x92: {  	_ =	strace s18  }
0x93: {  	s3 =	sld [smem:$0x3FFC];
	_ =	sdelay $0x3  }
0x94: {  	_ =	strace s3  }
0x95: {  	s3 =	sld [smem:$0x3FFD];
	_ =	sdelay $0x3  }
0x96: {  	_ =	strace s3  }
0x97: {  	_ =	strace $0x8FFFFFFF  }
0x98: {  	s19 =	sld [smem:$0x3FDB];
	_ =	sdelay $0x1  }
0x99: {  	s4 =	simm.s32 $_scs_section_size  }
0x9a: {  	s5 =	simm.s32 $_size__tile_overlayer_lowered;
	s6 =	simm.s32 $_tile_overlayer_lowered  }
0x9b: {  	s22 =	simm.s32 $0x1BFF;
	s21 =	sshll.u32 s6, $0x1;
	s3 =	sadd.s32 s4, s19  }
0x9c: {  	s7 =	simm.s32 $0x0;
	s20 =	sshll.u32 s5, $0x1;
	s5 =	sadd.s32 s21, s3  }
0x9d: {  	[timem:s7], [sflag:s22] =	dma.local [hbm:s5], s20  }
0x9e: {  	_ =	swait.ge [sflag:s22], s20  }
0x9f: {  	s4 =	ssub.s32 $0x0, s20;
	[sflag:s22] =	ssyncset.done $0x0  }
0xa0: {  	[sflag:s22] =	ssyncadd.s32 s4;
	_ =	sdelay $0x1  }
0xa1: {  	s23 =	simm.s32 $0x1B8B  }
0xa2: {  	_ =	swait.ge [sflag:s23], $0x1  }
0xa3: {  	[sflag:s23] =	ssyncset.done $0x0  }
0xa4: {  	s25 =	simm.s32 $0x1B8E;
	s24 =	sld [smem:$0x3FFE];
	[sflag:s23] =	ssyncadd.s32 $0xFFFFFFFF  }
0xa5: {  	s26 =	simm.s32 $execute0_lowered;
	[smem:$0x3FD2] =	sst s25  }
0xa6: {  	s5 =	sshll.u32 s26, $0x1;
	_ =	strace $0x80000049;
	[dreg:$0x1] =	wrdreg $0xFFFFFFFF  }
0xa7: {  	s28 =	simm.s32 $_size_execute0_lowered;
	s3 =	sadd.s32 s3, s5;
	[dreg:$0x0] =	wrdreg $0x0  }
0xa8: {  	s5 =	sshll.u32 s28, $0x1;
	[dreg:$0x2] =	wrdreg s3  }
0xa9: {  	[dreg:$0x3] =	wrdreg s5  }
0xaa: {  	[dreg:$0x4] =	wrdreg $0xC0  }
0xab: {  	_ =	task [dreg:s7], $0x5FFFF  }
0xac: {  	[dreg:$0x1] =	wrdreg $0xFFFFFFFF  }
0xad: {  	[dreg:$0x0] =	wrdreg $0x60  }
0xae: {  	[dreg:$0x2] =	wrdreg s24  }
0xaf: {  	[dreg:$0x3] =	wrdreg s2  }
0xb0: {  	[dreg:$0x4] =	wrdreg $0x72000  }
0xb1: {  	[dreg:$0x5] =	wrdreg $0x9  }
0xb2: {  	_ =	task.clear_ibuf [dreg:s7], $0x6FFFF;
	_ =	strace $0x90000049  }
0xb3: {  	s29 =	simm.s32 $0x9;
	_ =	strace $0x8000004B  }
0xb4: {  	_ =	swait.ge [sflag:s29], $0x1  }
0xb5: {  	[sflag:s29] =	ssyncadd.s32 $0xFFFFFFFF  }
0xb6: {  	_ =	strace $0x9000004B  }
0xb7: {  	_ =	sfence  }
0xb8: {  	s30 =	sld [smem:$0x0];
	_ =	sdelay $0x2  }
0xb9: {  	s31 =	sshll.u32 s1, $0xD;
	s1 =	sshrl.u32 s1, $0x2  }
0xba: {  	s3 =	sand.u32 $0x4000, s31;
	s1 =	sadd.s32 s1, s30  }
0xbb: {  	s0 =	sor.u32 s3, s0;
	s1 =	sshll.u32 s1, $0x11  }
0xbc: {  	s0 =	sor.u32 s1, s0  }
0xbd: {  	s0 =	sadd.s32 $0x8F2B, s0  }
0xbe: {  	[sflag:s0] =	ssyncadd.remote.s32 $0x1  }
0xbf: {  	_ =	sfence.sel $0xFFFF  }
0xc0: {  	[dreg:$0x0] =	wrdreg $0xFFFFFFFF;
	(pc) =	sbr.abs _section_cstart, $3  }
0xc1: {  	[dreg:$0x1] =	wrdreg $0xFFFFFFFF  }
0xc2: {  	_ =	task.clear_ibuf [dreg:s7], $0x2FFFF;
	_ =	strace $0x9FFFFFFF  }
0xc3: {  	(tm) =	ssettm $0x7FFFFFFF  }
tec
execute0_lowered:
.L_overlay_start_1:
0x0: {  	(tag) =	ssettag $0x1  }
0x1: {  	s7 =	rddreg [dreg:$0x0]  }
0x2: {  	s9 =	rddreg [dreg:$0x1]  }
0x3: {  	s1 =	rddreg [dreg:$0x2]  }
0x4: {  	s0 =	rddreg [dreg:$0x3];
	s2 =	simm.s32 $0x0  }
0x5: {  	s3 =	srdreg.scid;
	s15 =	simm.s32 $0x800;
	s16 =	simm.s32 $0x80  }
0x6: {  	s17 =	simm.s32 $0x3100;
	s18 =	simm.s32 $0x3200;
	s19 =	simm.s32 $0x1  }
0x7: {  	s20 =	simm.s32 $0x3180;
	[smem:$0x7FF] =	sst s2;
	s4 =	sadd.s32 $0x4FE600, s7  }
0x8: {  	s5 =	sand.u32 $0x1, s3;
	s6 =	sadd.s32 $0x4F9600, s7;
	s3 =	stileid.u32  }
0x9: {  	s7 =	sadd.s32 $0x3600, s7;
	_ =	strace $0x8000004A;
	s11 =	smul.u32 $0x63000, s3  }
0xa: {  	s8 =	ssub.s32 $0x2, s5;
	s26 =	sshll.u32 s3, $0x4;
	s28 =	smul.u32 $0x3180, s3  }
0xb: {  	v0 =	vlaneseq.u32;
	s14 =	smul.u32 $0x61000, s3;
	s30 =	sshll.u32 s3, $0x6;
	s10 =	sshrl.u32 s8, $0x1  }
.Ltmp0:
0xc: {  	v2 =	vmul.u32 $0x40000, v0;
	s13 =	sadd.s32 $0x3080, s26;
	s12 =	ssub.s32 s8, s10;
	(pc) =	sbr.rel .LBB2_1-.Ltmp0, $4  }
0xd: {  	v3 =	vor.u32 $0x2880, v0;
	v4 =	vor.u32 $0x10, v0;
	v5 =	vor.u32 $0x20, v0;
	s11 =	sshrl.u32 s11, $0x2;
	s8 =	smul.u32 $0x2800, s3;
	s9 =	sadd.s32 s9, s28  }
0xe: {  	v6 =	vor.u32 $0x30, v0;
	v7 =	vor.u32 $0x40, v0;
	v1 =	vmov s13;
	s10 =	sor.u32 $0x1C02, s30;
	s31 =	sshrl.u32 s14, $0x2;
	s14 =	simm.s32 $0x2  }
0xf: {  	v8 =	vor.u32 $0x50, v0;
	v9 =	vor.u32 $0x60, v0;
	s29 =	sadd.s32 s11, s1;
	v1 =	vshll.u32 v1, $0x12;
	s21 =	sadd.s32 s31, s1;
	s11 =	smul.u32 $0x308, s3  }
0x10: {  	v10 =	vor.u32 $0x70, v0;
	s12 =	smax.u32 s12, $0x1;
	v1 =	vor.u32 v2, v1;
	s13 =	sshrl.u32 s29, $0x3;
	v2 =	vimm.s32 $0x0;
	s21 =	sshrl.u32 s21, $0x3  }
.LBB2_11:
0x11: {  	s2 =	sadd.s32 $0x1, s2  }
0x12: {  	p0 =	sne.s32 s2, s12  }
.Ltmp1:
0x13: {  	_ = 	snop;
	(pc) =	sbr.rel @!p0 .LBB2_12-.Ltmp1, $1  }
0x14: {  	_ =	sdelay $0x3  }
.LBB2_1:
.Ltmp2:
0x15: {  	(pc) =	sbr.rel .LBB2_2-.Ltmp2, $2  }
0x16: {  	_ =	sdelay $0x2  }
0x17: {  	s22 =	simm.s32 $0x0  }
.LBB2_9:
0x18: {  	[tilespmem:$0x31F0] =	vst v11  }
0x19: {  	[tilespmem:s18], [sflag:$0x1] =	stream.indirect.gather [hbm4b:s4+s16], $0x80, s17, s16, $0xb8;
	[tilespmem:$0x1FE00] =	vst v63  }
0x1a: {  	_ =	swait.ge [sflag:s19], $0x4000  }
0x1b: {  	[sflag:s19] =	ssyncset.done $0x0  }
0x1c: {  	[sflag:s19] =	ssyncadd.s32 $0xFFFFC000  }
0x1d: {  	[spmem:s1] =	stream.indirect.scatter.add.f32 [tilespmem:s18], [sflag:$0x2], $0x80, s20, s16, $0xb8;
	[tilespmem:$0x1FE00] =	vst v63  }
0x1e: {  	_ =	swait.ge [sflag:s14], $0x4000  }
0x1f: {  	[sflag:s14] =	ssyncset.done $0x0  }
0x20: {  	[sflag:s14] =	ssyncadd.s32 $0xFFFFC000  }
.LBB2_10:
0x21: {  	s23 =	sadd.s32 s11, s23  }
0x22: {  	s22 =	sadd.s32 $0x1, s22;
	s23 =	sshll.u32 s23, $0x4  }
0x23: {  	[bflag:$0x0] =	sbarrier.arrive $0xFFFF;
	p0 =	sne.s32 s22, $0x7;
	s23 =	sadd.s32 s7, s23  }
0x24: {  	[hbm:s23], [sflag:s10] =	dma.local [spmem:s21], $0x3080  }
.Ltmp3:
0x25: {  	_ =	swait.ge [sflag:s14], $0x3080;
	(pc) =	sbr.rel @!p0 .LBB2_11-.Ltmp3, $3  }
0x26: {  	[sflag:s14] =	ssyncset.done $0x0  }
0x27: {  	[sflag:s14] =	ssyncadd.s32 $0xFFFFCF80  }
0x28: {  	[bflag:$0x0] =	sbarrier.arrive $0xFFFF;
	_ =	sdelay $0x1  }
.LBB2_2:
0x29: {  	s23 =	sshll.u32 s22, $0x1  }
0x2a: {  	[spmem:s13], [sflag:s10] =	dma.local [hbm:s9], $0x3180  }
0x2b: {  	s23 =	sor.u32 s5, s23;
	_ =	swait.ge [sflag:s14], $0x3180  }
0x2c: {  	s23 =	smul.u32 $0x3080, s23;
	[sflag:s14] =	ssyncset.done $0x0  }
0x2d: {  	s24 =	simm.s32 $0x0;
	[sflag:s14] =	ssyncadd.s32 $0xFFFFCE80  }
0x2e: {  	v12 =	vimm.s32 $0x0;
	s25 =	smov.u32 s8;
	s26 =	simm.s32 $0x0;
	[bflag:$0x0] =	sbarrier.arrive $0xFFFF;
	v11 =	vmov s23  }
.LBB2_3:
0x2f: {  	s28 =	sshll.u32 s26, $0xB  }
0x30: {  	s28 =	sadd.s32 s8, s28  }
0x31: {  	s28 =	sshrl.u32 s28, $0x3  }
0x32: {  	s28 =	sadd.s32 s6, s28  }
0x33: {  	[tilespmem:s24], [sflag:$0x2] =	stream.linear.gather [hbm4b:s28+s24], $0x800, $0x38;
	[tilespmem:$0x1FE00] =	vst v63  }
0x34: {  	_ =	swait.ge [sflag:s14], $0x800  }
0x35: {  	[sflag:s14] =	ssyncset.done $0x0  }
0x36: {  	s28 =	simm.s32 $0x0;
	[sflag:s14] =	ssyncadd.s32 $0xFFFFF800  }
0x37: {  	v13 =	vld [tilespmem:s28+$0x0];
	_ =	sdelay $0x4  }
0x38: {  	v13 =	vsub.s32 v13, v11  }
0x39: {  	vm0 =	vlt.u32 v13, $0x3080  }
0x3a: {  	v14 =	vsel vm0, $0x1, v2  }
0x3b: {  	(xrf0) =	vadd.scan.msk.s32 $0xffff, v14;
	_ =	sdelay $0x5  }
0x3c: {  	v14, _, _ =	vpop (xrf0)  }
0x3d: {  	v14 =	vadd.s32 v14, v12  }
0x3e: {  	v14 =	vadd.s32 $0xFFFFFFFF, v14  }
0x3f: {  	v13 =	vshll.u32 v13, $0x12;
	v14 =	vsel vm0, v14, v3  }
0x40: {  	v13 =	vor.u32 s25, v13  }
0x41: {  	v15 =	vmpcnt.ones.xlane vm0;
	v13 =	vor.u32 v0, v13;
	_ =	sdelay $0x1  }
0x42: {  	v12 =	vadd.s32 v12, v15  }
0x43: {  	s30 =	simm.s32 $0x10;
	s29 =	simm.s32 $0x80;
	s28 =	smov.u32 s25;
	[tilespmem:v14+s15+$0x0] =	vst.idx.msk $0xffff, v13;
	v13 =	vmov v12  }
.LBB2_4:
0x44: {  	p0 =	sne.s32 s29, $0x1FC0;
	v14 =	vld [tilespmem:s30+$0x0];
	_ =	sdelay $0x4  }
0x45: {  	v14 =	vsub.s32 v14, v11  }
0x46: {  	vm0 =	vlt.u32 v14, $0x3080  }
0x47: {  	v15 =	vsel vm0, $0x1, v2;
	v16 =	vmpcnt.ones.xlane vm0  }
0x48: {  	(xrf0) =	vadd.scan.msk.s32 $0xffff, v15  }
0x49: {  	v12 =	vadd.s32 v12, v16;
	_ =	sdelay $0x4  }
0x4a: {  	v15, _, _ =	vpop (xrf0)  }
0x4b: {  	v15 =	vadd.s32 v15, v13;
	v13 =	vmov v12  }
0x4c: {  	v15 =	vadd.s32 $0xFFFFFFFF, v15  }
0x4d: {  	v15 =	vsel vm0, v15, v3  }
.Ltmp4:
0x4e: {  	(pc) =	sbr.rel @p0 .LBB2_4-.Ltmp4, $4  }
0x4f: {  	s28 =	sadd.s32 $0x10, s28;
	v14 =	vshll.u32 v14, $0x12  }
0x50: {  	v14 =	vor.u32 s28, v14  }
0x51: {  	v14 =	vor.u32 v0, v14  }
0x52: {  	s30 =	sshra.s32 s29, $0x2;
	s29 =	sadd.s32 $0x40, s29;
	[tilespmem:v15+s15+$0x0] =	vst.idx.msk $0xffff, v14  }
0x53: {  	v14 =	vld [tilespmem:s30+$0x0];
	_ =	sdelay $0x4  }
0x54: {  	v14 =	vsub.s32 v14, v11  }
0x55: {  	vm0 =	vlt.u32 v14, $0x3080  }
0x56: {  	v15 =	vsel vm0, $0x1, v2  }
0x57: {  	(xrf0) =	vadd.scan.msk.s32 $0xffff, v15;
	_ =	sdelay $0x5  }
0x58: {  	v15, _, _ =	vpop (xrf0)  }
0x59: {  	v13 =	vadd.s32 v15, v13  }
0x5a: {  	s26 =	sadd.s32 $0x1, s26;
	v13 =	vadd.s32 $0xFFFFFFFF, v13  }
0x5b: {  	p0 =	sne.s32 s26, $0x5;
	v13 =	vsel vm0, v13, v3  }
.Ltmp5:
0x5c: {  	_ = 	snop;
	(pc) =	sbr.rel @p0 .LBB2_3-.Ltmp5, $4  }
0x5d: {  	s28 =	sadd.s32 $0x10, s28;
	v14 =	vshll.u32 v14, $0x12  }
0x5e: {  	v14 =	vor.u32 s28, v14;
	v15 =	vmpcnt.ones.xlane vm0  }
0x5f: {  	v14 =	vor.u32 v0, v14  }
0x60: {  	s25 =	sadd.s32 $0x800, s25;
	v12 =	vadd.s32 v12, v15;
	[tilespmem:v13+s15+$0x0] =	vst.idx.msk $0xffff, v14  }
0x61: {  	(v2sf) =	vpush v12, $0x0;
	_ =	sdelay $0xa  }
0x62: {  	v11 =	vadd.s32 v0, v12  }
0x63: {  	v13 =	vadd.s32 v4, v12  }
0x64: {  	v14 =	vadd.s32 v5, v12  }
0x65: {  	v15 =	vadd.s32 v6, v12  }
0x66: {  	v16 =	vadd.s32 v7, v12;
	s24 =	spop (v2sf)  }
0x67: {  	[tilespmem:v11+s15+$0x0] =	vst.idx.msk $0xffff, v1;
	v11 =	vadd.s32 v8, v12;
	s24 =	sadd.s32 $0x7F, s24  }
0x68: {  	v62 =	vadd.s32 v9, v12;
	[tilespmem:v13+s15+$0x0] =	vst.idx.msk $0xffff, v1;
	s25 =	sshra.s32 s24, $0x7  }
0x69: {  	v63 =	vadd.s32 v10, v12;
	[tilespmem:v14+s15+$0x0] =	vst.idx.msk $0xffff, v1;
	p0 =	slt.s32 s25, $0x1  }
.Ltmp6:
0x6a: {  	[tilespmem:v15+s15+$0x0] =	vst.idx.msk $0xffff, v1;
	(pc) =	sbr.rel @p0 .LBB2_10-.Ltmp6, $4  }
0x6b: {  	[tilespmem:v16+s15+$0x0] =	vst.idx.msk $0xffff, v1  }
0x6c: {  	[tilespmem:v11+s15+$0x0] =	vst.idx.msk $0xffff, v1  }
0x6d: {  	[tilespmem:v62+s15+$0x0] =	vst.idx.msk $0xffff, v1  }
0x6e: {  	[tilespmem:v63+s15+$0x0] =	vst.idx.msk $0xffff, v1;
	s24 =	simm.s32 $0x840  }
0x6f: {  	v11 =	vld [tilespmem:s24+$0xFFFFFFC0];
	_ =	sdelay $0x4  }
0x70: {  	v12 =	vand.u32 $0x3FFFF, v11  }
0x71: {  	v11 =	vshrl.u32 v11, $0x12;
	[tilespmem:$0x3100] =	vst v12  }
0x72: {  	[tilespmem:$0x3180] =	vst v11  }
0x73: {  	v11 =	vld [tilespmem:s24+$0xFFFFFFD0];
	_ =	sdelay $0x4  }
0x74: {  	v57 =	vand.u32 $0x3FFFF, v11  }
0x75: {  	v11 =	vshrl.u32 v11, $0x12;
	[tilespmem:$0x3110] =	vst v57  }
0x76: {  	[tilespmem:$0x3190] =	vst v11  }
0x77: {  	v11 =	vld [tilespmem:s24+$0xFFFFFFE0];
	_ =	sdelay $0x4  }
0x78: {  	v58 =	vand.u32 $0x3FFFF, v11  }
0x79: {  	v11 =	vshrl.u32 v11, $0x12;
	[tilespmem:$0x3120] =	vst v58  }
0x7a: {  	[tilespmem:$0x31A0] =	vst v11  }
0x7b: {  	v11 =	vld [tilespmem:s24+$0xFFFFFFF0];
	_ =	sdelay $0x4  }
0x7c: {  	v59 =	vand.u32 $0x3FFFF, v11  }
0x7d: {  	v11 =	vshrl.u32 v11, $0x12;
	[tilespmem:$0x3130] =	vst v59  }
0x7e: {  	[tilespmem:$0x31B0] =	vst v11  }
0x7f: {  	v11 =	vld [tilespmem:s24+$0x0];
	_ =	sdelay $0x4  }
0x80: {  	v60 =	vand.u32 $0x3FFFF, v11  }
0x81: {  	v11 =	vshrl.u32 v11, $0x12;
	[tilespmem:$0x3140] =	vst v60  }
0x82: {  	[tilespmem:$0x31C0] =	vst v11  }
0x83: {  	v11 =	vld [tilespmem:s24+$0x10];
	_ =	sdelay $0x4  }
0x84: {  	v61 =	vand.u32 $0x3FFFF, v11  }
0x85: {  	v11 =	vshrl.u32 v11, $0x12;
	[tilespmem:$0x3150] =	vst v61  }
0x86: {  	[tilespmem:$0x31D0] =	vst v11  }
0x87: {  	v11 =	vld [tilespmem:s24+$0x20];
	_ =	sdelay $0x4  }
0x88: {  	v62 =	vand.u32 $0x3FFFF, v11  }
0x89: {  	v11 =	vshrl.u32 v11, $0x12;
	[tilespmem:$0x3160] =	vst v62  }
0x8a: {  	[tilespmem:$0x31E0] =	vst v11  }
0x8b: {  	v11 =	vld [tilespmem:s24+$0x30]  }
0x8c: {  	p0 =	sne.s32 s25, $0x1  }
.Ltmp7:
0x8d: {  	_ = 	snop;
	(pc) =	sbr.rel @!p0 .LBB2_9-.Ltmp7, $3  }
0x8e: {  	_ =	sdelay $0x1  }
0x8f: {  	v63 =	vand.u32 $0x3FFFF, v11  }
0x90: {  	s25 =	sadd.s32 $0xFFFFFFFF, s25;
	v11 =	vshrl.u32 v11, $0x12;
	[tilespmem:$0x3170] =	vst v63  }
.LBB2_8:
0x91: {  	p0 =	sne.s32 s25, $0x1;
	s25 =	sadd.s32 $0xFFFFFFFF, s25;
	[tilespmem:$0x31F0] =	vst v11;
	s24 =	sadd.s32 $0x80, s24  }
0x92: {  	[tilespmem:s18], [sflag:$0x1] =	stream.indirect.gather [hbm4b:s4+s16], $0x80, s17, s16, $0xb8;
	[tilespmem:$0x1FE00] =	vst v63  }
0x93: {  	_ =	swait.ge [sflag:s19], $0x4000  }
0x94: {  	[sflag:s19] =	ssyncset.done $0x0  }
0x95: {  	[sflag:s19] =	ssyncadd.s32 $0xFFFFC000  }
0x96: {  	[spmem:s1] =	stream.indirect.scatter.add.f32 [tilespmem:s18], [sflag:$0x2], $0x80, s20, s16, $0xb8;
	[tilespmem:$0x1FE00] =	vst v63  }
0x97: {  	_ =	swait.ge [sflag:s14], $0x4000  }
0x98: {  	[sflag:s14] =	ssyncset.done $0x0  }
0x99: {  	[sflag:s14] =	ssyncadd.s32 $0xFFFFC000  }
0x9a: {  	v11 =	vld [tilespmem:s24+$0xFFFFFFC0];
	_ =	sdelay $0x4  }
0x9b: {  	v12 =	vand.u32 $0x3FFFF, v11;
	v11 =	vshrl.u32 v11, $0x12  }
0x9c: {  	[tilespmem:$0x3100] =	vst v12  }
0x9d: {  	[tilespmem:$0x3180] =	vst v11  }
0x9e: {  	v11 =	vld [tilespmem:s24+$0xFFFFFFD0];
	_ =	sdelay $0x4  }
0x9f: {  	v12 =	vand.u32 $0x3FFFF, v11;
	v11 =	vshrl.u32 v11, $0x12  }
0xa0: {  	[tilespmem:$0x3110] =	vst v12  }
0xa1: {  	[tilespmem:$0x3190] =	vst v11  }
0xa2: {  	v11 =	vld [tilespmem:s24+$0xFFFFFFE0];
	_ =	sdelay $0x4  }
0xa3: {  	v12 =	vand.u32 $0x3FFFF, v11;
	v11 =	vshrl.u32 v11, $0x12  }
0xa4: {  	[tilespmem:$0x3120] =	vst v12  }
0xa5: {  	[tilespmem:$0x31A0] =	vst v11  }
0xa6: {  	v11 =	vld [tilespmem:s24+$0xFFFFFFF0];
	_ =	sdelay $0x4  }
0xa7: {  	v12 =	vand.u32 $0x3FFFF, v11;
	v11 =	vshrl.u32 v11, $0x12  }
0xa8: {  	[tilespmem:$0x3130] =	vst v12  }
0xa9: {  	[tilespmem:$0x31B0] =	vst v11  }
0xaa: {  	v11 =	vld [tilespmem:s24+$0x0];
	_ =	sdelay $0x4  }
0xab: {  	v12 =	vand.u32 $0x3FFFF, v11;
	v11 =	vshrl.u32 v11, $0x12  }
0xac: {  	[tilespmem:$0x3140] =	vst v12  }
0xad: {  	[tilespmem:$0x31C0] =	vst v11  }
0xae: {  	v11 =	vld [tilespmem:s24+$0x10];
	_ =	sdelay $0x4  }
0xaf: {  	v12 =	vand.u32 $0x3FFFF, v11;
	v11 =	vshrl.u32 v11, $0x12  }
0xb0: {  	[tilespmem:$0x3150] =	vst v12  }
0xb1: {  	[tilespmem:$0x31D0] =	vst v11  }
0xb2: {  	v11 =	vld [tilespmem:s24+$0x20];
	_ =	sdelay $0x4  }
0xb3: {  	v12 =	vand.u32 $0x3FFFF, v11;
	v11 =	vshrl.u32 v11, $0x12  }
0xb4: {  	[tilespmem:$0x3160] =	vst v12  }
0xb5: {  	[tilespmem:$0x31E0] =	vst v11  }
0xb6: {  	v11 =	vld [tilespmem:s24+$0x30];
	_ =	sdelay $0x1  }
.Ltmp8:
0xb7: {  	(pc) =	sbr.rel @p0 .LBB2_8-.Ltmp8, $3  }
0xb8: {  	_ =	sdelay $0x1  }
0xb9: {  	v12 =	vand.u32 $0x3FFFF, v11;
	v11 =	vshrl.u32 v11, $0x12  }
0xba: {  	[tilespmem:$0x3170] =	vst v12  }
.Ltmp9:
0xbb: {  	_ = 	snop;
	(pc) =	sbr.rel .LBB2_9-.Ltmp9, $1  }
0xbc: {  	_ =	sdelay $0x3  }
.LBB2_12:
0xbd: {  	_ =	sfence.sel $0x180000  }
0xbe: {  	[bflag:$0x0] =	sbarrier.arrive $0xFFFF  }
0xbf: {  	p0 =	sne.s32 s3, $0x0;
	_ =	strace $0x9000004A  }
0xc0: {  	s0 =	sadd.s32 @!p0 $0x100000, s0;
	[bflag:$0x2] =	sbarrier.arrive $0xFFFF  }
0xc1: {  	[sflag:s0] =	ssyncadd.tile.s32 @!p0 $0x1;
	_ =	shalt  }
.Lfunc_end2:
_tile_overlayer_lowered:
.L_overlay_start_2:
0xc2: {  	(tag) =	ssettag $0x2  }
0xc3: {  	s0 =	rddreg [dreg:$0x0];
	s2 =	stileid.u32  }
0xc4: {  	s1 =	rddreg [dreg:$0x1];
	p0 =	sne.s32 s2, $0x0  }
0xc5: {  	s3 =	rddreg [dreg:$0x2];
	[bflag:$0x3] =	sbarrier.arrive $0xFFFF;
	s2 =	simm.s32 @!p0 $0x1C02  }
0xc6: {  	[timem:s3], [sflag:s2] =	dma.local @!p0 [hbm:s0], s1  }
0xc7: {  	s0 =	simm.s32 @!p0 $0x2  }
0xc8: {  	_ =	swait.ge @!p0 [sflag:s0], s1  }
0xc9: {  	s1 =	ssub.s32 @!p0 $0x0, s1;
	[sflag:s0] =	ssyncset.done @!p0 $0x0  }
0xca: {  	[sflag:s0] =	ssyncadd.s32 @!p0 s1  }
0xcb: {  	[bflag:$0x3] =	sbarrier.arrive $0xFFFF  }
0xcc: {  	_ =	shalt  }

// kernel: kernel.7.cloned.1.call-start
scs
__scs_entry_jumppad:
0x0: {  	(pc) =	sbr.rel $0x88, $3  }
0x1: {  	(tag) =	ssettag $0x0;
	lr =	simm.s32 $0x1  }
0x2: {  	[smem:$0x3F8B] =	sst lr;
	_ =	strace $0xD0000000  }
0x3: {  	_ = 	snop  }
0x4: {  	_ = 	snop  }
0x5: {  	_ = 	snop  }
0x6: {  	_ = 	snop  }
0x7: {  	_ = 	snop  }
__scs_overlays_trampoline_lowered:
0x8: {  	[smem:$0x3F9A] =	sst s0  }
0x9: {  	[smem:$0x3F9B] =	sst s1  }
0xa: {  	[smem:$0x3F9C] =	sst s2  }
0xb: {  	[smem:$0x3F9D] =	sst s3  }
0xc: {  	[smem:$0x3F9E] =	sst s4  }
0xd: {  	[smem:$0x3F9F] =	sst s5  }
0xe: {  	[smem:$0x3FA0] =	sst s6  }
0xf: {  	[smem:$0x3FA1] =	sst s7  }
0x10: {  	[smem:$0x3FA2] =	sst s8  }
0x11: {  	[smem:$0x3FA3] =	sst s9;
	s0 =	simm.s32 @!p0 $0x0  }
0x12: {  	s1 =	sld [smem:$0x3F89];
	s0 =	simm.s32 @p0 $0x1  }
0x13: {  	[smem:$0x3FA4] =	sst s0;
	s0 =	simm.s32 @!p1 $0x0  }
0x14: {  	s2 =	sld [smem:$0x3F88];
	s0 =	simm.s32 @p1 $0x1  }
0x15: {  	[smem:$0x3FA5] =	sst s0;
	s0 =	simm.s32 @!p2 $0x0  }
0x16: {  	s3 =	sld [smem:$0x3FDB];
	s0 =	simm.s32 @p2 $0x1  }
0x17: {  	s4 =	simm.s32 $0x1BF5;
	[smem:$0x3FA7] =	sst s0  }
0x18: {  	s0 =	sld [smem:$0x3F8A];
	_ =	swait.ge [sflag:s4], $0x0  }
0x19: {  	s7 =	sld [smem:$0x3F8B]  }
0x1a: {  	s8 =	sadd.s32 $0xFFFFE003, lr  }
0x1b: {  	s9 =	sadd.s32 $0xFFFFFEF7, lr;
	s5 =	simm.s32 $0xFFFFFFFF;
	p2 =	slt.u32 s8, $0xFFFFF086  }
0x1c: {  	p1 =	slt.u32 s9, $0xF7A;
	s5 =	simm.s32 @!p2 $0x0  }
0x1d: {  	s5 =	simm.s32 @p1 $0x1;
	p0 =	seq.s32 s7, s2  }
0x1e: {  	s7 =	smul.u32 @!p0 $0xF7A, s2;
	p2 =	seq.s32 @!p0 s5, $0x0  }
0x1f: {  	s9 =	smul.u32 $0xF7A, s1;
	s8 =	simm.s32 @!p0 $0x1BF5;
	p2 =	por !p2, p0  }
0x20: {  	[sflag:s8] =	ssyncset.s32 @!p0 $0xFFFFF086;
	s6 =	sadd.s32 @!p0 s3, s7;
	s7 =	simm.s32 @!p0 $0x108  }
0x21: {  	s3 =	sadd.s32 s3, s9;
	s6 =	sadd.s32 @!p0 $0x88, s6;
	s7 =	simm.s32 @p2 $0x1082  }
0x22: {  	[simem:s7], [sflag:s8] =	dma.local @!p0 [hbm:s6], $0xF7A  }
0x23: {  	s9 =	sor.u32 $0xD0000000, s2;
	s6 =	simm.s32 $0x108;
	_ =	swait.ge @!p0 [sflag:s8], $0x0  }
0x24: {  	s3 =	sadd.s32 $0x88, s3;
	s6 =	simm.s32 @!p1 $0x1082;
	[sflag:s4] =	ssyncset.s32 $0xFFFFF086  }
0x25: {  	[simem:s6], [sflag:s4] =	dma.local [hbm:s3], $0xF7A  }
0x26: {  	[smem:$0x3F8B] =	sst s1;
	(tag) =	ssettag s2;
	_ =	strace s9  }
0x27: {  	s1 =	sld [smem:$0x3F9B]  }
0x28: {  	s2 =	sld [smem:$0x3F9C]  }
0x29: {  	s4 =	sld [smem:$0x3F9E]  }
0x2a: {  	p0 =	seq.s32 s5, $0x0;
	s5 =	sld [smem:$0x3F9F]  }
0x2b: {  	s6 =	sld [smem:$0x3FA0]  }
0x2c: {  	s7 =	sld [smem:$0x3FA1]  }
0x2d: {  	s3 =	simm.s32 $0x108;
	s8 =	sld [smem:$0x3FA2]  }
0x2e: {  	s3 =	simm.s32 @!p0 $0x1082;
	s9 =	sld [smem:$0x3FA3]  }
0x2f: {  	lr =	sadd.s32 s0, s3;
	s0 =	sld [smem:$0x3F9A]  }
0x30: {  	s3 =	sld [smem:$0x3F9D]  }
0x31: {  	[smem:$0x3FA6] =	sst s10  }
0x32: {  	s10 =	sld [smem:$0x3FA4];
	_ =	sdelay $0x3  }
0x33: {  	p0 =	seq.s32 s10, $0x1;
	s10 =	sld [smem:$0x3FA6];
	_ =	sdelay $0x3  }
0x34: {  	[smem:$0x3FA6] =	sst s10  }
0x35: {  	s10 =	sld [smem:$0x3FA5];
	_ =	sdelay $0x3  }
0x36: {  	p1 =	seq.s32 s10, $0x1;
	s10 =	sld [smem:$0x3FA6];
	_ =	sdelay $0x3  }
0x37: {  	[smem:$0x3FA6] =	sst s10  }
0x38: {  	s10 =	sld [smem:$0x3FA7]  }
0x39: {  	_ = 	snop;
	(pc) =	sbr.ind lr, $3  }
0x3a: {  	_ = 	snop  }
0x3b: {  	_ = 	snop  }
0x3c: {  	p2 =	seq.s32 s10, $0x1;
	s10 =	sld [smem:$0x3FA6]  }
0x3d: {  	_ =	shalt  }
0x3e: {  	_ =	shalt  }
0x3f: {  	_ =	shalt  }
0x40: {  	_ =	shalt  }
0x41: {  	_ =	shalt  }
0x42: {  	_ =	shalt  }
0x43: {  	_ =	shalt  }
0x44: {  	_ =	shalt  }
0x45: {  	_ =	shalt  }
0x46: {  	_ =	shalt  }
0x47: {  	_ =	shalt  }
0x48: {  	_ =	shalt  }
0x49: {  	_ =	shalt  }
0x4a: {  	_ =	shalt  }
0x4b: {  	_ =	shalt  }
0x4c: {  	_ =	shalt  }
0x4d: {  	_ =	shalt  }
0x4e: {  	_ =	shalt  }
0x4f: {  	_ =	shalt  }
0x50: {  	_ =	shalt  }
0x51: {  	_ =	shalt  }
0x52: {  	_ =	shalt  }
0x53: {  	_ =	shalt  }
0x54: {  	_ =	shalt  }
0x55: {  	_ =	shalt  }
0x56: {  	_ =	shalt  }
0x57: {  	_ =	shalt  }
0x58: {  	_ =	shalt  }
0x59: {  	_ =	shalt  }
0x5a: {  	_ =	shalt  }
0x5b: {  	_ =	shalt  }
0x5c: {  	_ =	shalt  }
0x5d: {  	_ =	shalt  }
0x5e: {  	_ =	shalt  }
0x5f: {  	_ =	shalt  }
0x60: {  	_ =	shalt  }
0x61: {  	_ =	shalt  }
0x62: {  	_ =	shalt  }
0x63: {  	_ =	shalt  }
0x64: {  	_ =	shalt  }
0x65: {  	_ =	shalt  }
0x66: {  	_ =	shalt  }
0x67: {  	_ =	shalt  }
0x68: {  	_ =	shalt  }
0x69: {  	_ =	shalt  }
0x6a: {  	_ =	shalt  }
0x6b: {  	_ =	shalt  }
0x6c: {  	_ =	shalt  }
0x6d: {  	_ =	shalt  }
0x6e: {  	_ =	shalt  }
0x6f: {  	_ =	shalt  }
0x70: {  	_ =	shalt  }
0x71: {  	_ =	shalt  }
0x72: {  	_ =	shalt  }
0x73: {  	_ =	shalt  }
0x74: {  	_ =	shalt  }
0x75: {  	_ =	shalt  }
0x76: {  	_ =	shalt  }
0x77: {  	_ =	shalt  }
0x78: {  	_ =	shalt  }
0x79: {  	_ =	shalt  }
0x7a: {  	_ =	shalt  }
0x7b: {  	_ =	shalt  }
0x7c: {  	_ =	shalt  }
0x7d: {  	_ =	shalt  }
0x7e: {  	_ =	shalt  }
0x7f: {  	_ =	shalt  }
0x80: {  	_ =	shalt  }
0x81: {  	_ =	shalt  }
0x82: {  	_ =	shalt  }
0x83: {  	_ =	shalt  }
0x84: {  	_ =	shalt  }
0x85: {  	_ =	shalt  }
0x86: {  	_ =	shalt  }
0x87: {  	_ =	shalt  }
.Lfunc_end0:
.L_simem_size_0:
called_computation_lowered:
.L_overlay_start_0:
0x88: {  	s2 =	sld [smem:$0x3FD9]  }
0x89: {  	s3 =	sld [smem:$0x3FFE];
	_ =	sdelay $0x1  }
0x8a: {  	s1 =	srdreg.scid  }
0x8b: {  	s0 =	sand.u32 $0x1, s1  }
0x8c: {  	s16 =	sshll.u32 s0, $0xA;
	s2 =	sadd.s32 s3, s2  }
0x8d: {  	s2 =	sadd.s32 s2, s16  }
0x8e: {  	[smem:$0x3FB2] =	sst s2  }
0x8f: {  	_ = 	snop  }
0x90: {  	(tm) =	ssettm $0x1  }
0x91: {  	s17 =	sld [smem:$0x3FFB];
	_ =	sdelay $0x3  }
0x92: {  	_ =	strace s17  }
0x93: {  	s2 =	sld [smem:$0x3FFC];
	_ =	sdelay $0x3  }
0x94: {  	_ =	strace s2  }
0x95: {  	s2 =	sld [smem:$0x3FFD];
	_ =	sdelay $0x3  }
0x96: {  	_ =	strace s2  }
0x97: {  	_ =	strace $0x8FFFFFFF  }
0x98: {  	s18 =	sld [smem:$0x3FDB];
	_ =	sdelay $0x1  }
0x99: {  	s19 =	simm.s32 $_scs_section_size  }
0x9a: {  	s4 =	simm.s32 $_size__tile_overlayer_lowered;
	s5 =	simm.s32 $_tile_overlayer_lowered  }
0x9b: {  	s22 =	simm.s32 $0x1BFF;
	s21 =	sshll.u32 s5, $0x1;
	s2 =	sadd.s32 s19, s18  }
0x9c: {  	s6 =	simm.s32 $0x0;
	s20 =	sshll.u32 s4, $0x1;
	s4 =	sadd.s32 s21, s2  }
0x9d: {  	[timem:s6], [sflag:s22] =	dma.local [hbm:s4], s20  }
0x9e: {  	_ =	swait.ge [sflag:s22], s20  }
0x9f: {  	s3 =	ssub.s32 $0x0, s20;
	[sflag:s22] =	ssyncset.done $0x0  }
0xa0: {  	[sflag:s22] =	ssyncadd.s32 s3;
	_ =	sdelay $0x1  }
0xa1: {  	s23 =	simm.s32 $0x1B8B  }
0xa2: {  	_ =	swait.ge [sflag:s23], $0x1  }
0xa3: {  	[sflag:s23] =	ssyncset.done $0x0  }
0xa4: {  	s25 =	simm.s32 $0x1B8E;
	s24 =	sld [smem:$0x3FFE];
	[sflag:s23] =	ssyncadd.s32 $0xFFFFFFFF  }
0xa5: {  	s26 =	simm.s32 $execute0_lowered;
	[smem:$0x3FD2] =	sst s25  }
0xa6: {  	s4 =	sshll.u32 s26, $0x1;
	_ =	strace $0x80000046;
	[dreg:$0x1] =	wrdreg $0xFFFFFFFF  }
0xa7: {  	s28 =	simm.s32 $_size_execute0_lowered;
	s2 =	sadd.s32 s2, s4;
	[dreg:$0x0] =	wrdreg $0x0  }
0xa8: {  	s4 =	sshll.u32 s28, $0x1;
	[dreg:$0x2] =	wrdreg s2  }
0xa9: {  	[dreg:$0x3] =	wrdreg s4  }
0xaa: {  	[dreg:$0x4] =	wrdreg $0xC0  }
0xab: {  	_ =	task [dreg:s6], $0x5FFFF  }
0xac: {  	[dreg:$0x1] =	wrdreg $0xFFFFFFFF  }
0xad: {  	[dreg:$0x0] =	wrdreg $0x60  }
0xae: {  	[dreg:$0x2] =	wrdreg s24  }
0xaf: {  	[dreg:$0x3] =	wrdreg $0x9  }
0xb0: {  	_ =	task.clear_ibuf [dreg:s6], $0x4FFFF;
	_ =	strace $0x90000046  }
0xb1: {  	s29 =	simm.s32 $0x9;
	_ =	strace $0x80000048  }
0xb2: {  	_ =	swait.ge [sflag:s29], $0x1  }
0xb3: {  	[sflag:s29] =	ssyncadd.s32 $0xFFFFFFFF  }
0xb4: {  	_ =	strace $0x90000048  }
0xb5: {  	_ =	sfence  }
0xb6: {  	s30 =	sld [smem:$0x0];
	_ =	sdelay $0x2  }
0xb7: {  	s31 =	sshll.u32 s1, $0xD;
	s1 =	sshrl.u32 s1, $0x2  }
0xb8: {  	s3 =	sand.u32 $0x4000, s31;
	s1 =	sadd.s32 s1, s30  }
0xb9: {  	s0 =	sor.u32 s3, s0;
	s1 =	sshll.u32 s1, $0x11  }
0xba: {  	s0 =	sor.u32 s1, s0  }
0xbb: {  	s0 =	sadd.s32 $0x8F2B, s0  }
0xbc: {  	[sflag:s0] =	ssyncadd.remote.s32 $0x1  }
0xbd: {  	_ =	sfence.sel $0xFFFF  }
0xbe: {  	[dreg:$0x0] =	wrdreg $0xFFFFFFFF;
	(pc) =	sbr.abs _section_cstart, $3  }
0xbf: {  	[dreg:$0x1] =	wrdreg $0xFFFFFFFF  }
0xc0: {  	_ =	task.clear_ibuf [dreg:s6], $0x2FFFF;
	_ =	strace $0x9FFFFFFF  }
0xc1: {  	(tm) =	ssettm $0x7FFFFFFF  }
tec
execute0_lowered:
.L_overlay_start_1:
0x0: {  	(tag) =	ssettag $0x1  }
0x1: {  	s0 =	stileid.u32  }
0x2: {  	s13 =	smul.u32 $0x140000, s0  }
0x3: {  	s1 =	srdreg.scid;
	s18 =	smul.u32 $0x2800, s0  }
0x4: {  	s14 =	sand.u32 $0x1, s1;
	s30 =	smul.u32 $0x28000, s0  }
0x5: {  	s4 =	rddreg [dreg:$0x0];
	s2 =	simm.s32 $0x0;
	s17 =	smul.u32 $0xA0000, s14  }
0x6: {  	s21 =	simm.s32 $0x4100;
	s3 =	sshll.u32 s0, $0x1;
	s29 =	smul.u32 $0x1400, s14  }
0x7: {  	[smem:$0x7FF] =	sst s2;
	s7 =	sor.u32 s14, s3;
	s20 =	smul.u32 $0x14000, s14  }
0x8: {  	s15 =	sadd.s32 $0x3600, s4;
	s16 =	sadd.s32 $0x279600, s4;
	s6 =	smul.u32 $0x1400, s7  }
0x9: {  	_ =	strace $0x80000047;
	s5 =	ssub.s32 $0x2, s14;
	s10 =	smul.u32 $0xA0000, s7  }
0xa: {  	s3 =	sadd.s32 $0x8600, s4;
	s8 =	sshrl.u32 s5, $0x1;
	s24 =	smul.u32 $0x14000, s7  }
0xb: {  	s8 =	ssub.s32 s5, s8;
	s13 =	sadd.s32 s17, s13;
	s17 =	sadd.s32 s29, s18  }
0xc: {  	s18 =	simm.s32 $0x1;
	s9 =	sshrl.u32 s6, $0x3;
	s22 =	sshll.u32 s6, $0x4  }
0xd: {  	s11 =	sor.u32 $0x100, s6;
	s12 =	sor.u32 $0x180, s6;
	s6 =	smax.u32 s8, $0x1  }
0xe: {  	s10 =	sshrl.u32 s10, $0x3;
	s28 =	sadd.s32 s16, s24;
	s13 =	sor.u32 $0x8000, s13  }
0xf: {  	s19 =	sor.u32 $0x280, s17;
	s17 =	sor.u32 $0x200, s17;
	s24 =	simm.s32 $0x5  }
0x10: {  	s4 =	sadd.s32 s15, s9;
	s23 =	sshrl.u32 s11, $0x3;
	s8 =	sadd.s32 s16, s10  }
0x11: {  	s25 =	sshrl.u32 s12, $0x3;
	s26 =	sadd.s32 s22, s16;
	s12 =	sadd.s32 $0x13800, s28  }
0x12: {  	s13 =	sshrl.u32 s13, $0x3;
	s31 =	sshrl.u32 s19, $0x3;
	s17 =	sshrl.u32 s17, $0x3  }
0x13: {  	s19 =	simm.s32 $0x100;
	s22 =	simm.s32 $0x3;
	s5 =	sadd.s32 $0x10, s4  }
0x14: {  	s7 =	sadd.s32 s15, s23;
	s9 =	sadd.s32 s15, s25;
	s10 =	sadd.s32 $0x800, s26  }
0x15: {  	s11 =	sadd.s32 $0x13000, s8;
	s13 =	sadd.s32 s13, s16;
	s16 =	sadd.s32 s30, s16  }
0x16: {  	s14 =	sadd.s32 s31, s15;
	s15 =	sadd.s32 s17, s15;
	s17 =	simm.s32 $0x80  }
0x17: {  	s23 =	simm.s32 $0x4;
	s25 =	simm.s32 $0x6;
	s16 =	sadd.s32 s20, s16  }
0x18: {  	s26 =	simm.s32 $0x0;
	s20 =	simm.s32 $0x2;
	s16 =	sadd.s32 $0x1800, s16  }
.LBB2_1:
0x19: {  	[tilespmem:s2], [sflag:$0x1] =	stream.linear.gather [hbm4b:s4+s2], $0x80, $0x38;
	[tilespmem:$0x8100] =	vst v63  }
0x1a: {  	_ = 	snop  }
0x1b: {  	[tilespmem:s17], [sflag:$0x2] =	stream.linear.gather [hbm4b:s5+s2], $0x80, $0x38;
	[tilespmem:$0x8100] =	vst v63  }
0x1c: {  	_ =	swait.ge [sflag:s18], $0x80  }
0x1d: {  	[sflag:s18] =	ssyncset.done $0x0  }
0x1e: {  	[sflag:s18] =	ssyncadd.s32 $0xFFFFFF80  }
0x1f: {  	[tilespmem:s19], [sflag:$0x3] =	stream.indirect.gather [hbm4b:s3+s17], $0x80, s2, s17, $0xb8;
	[tilespmem:$0x8100] =	vst v63  }
0x20: {  	_ =	swait.ge [sflag:s20], $0x80  }
0x21: {  	[sflag:s20] =	ssyncset.done $0x0  }
0x22: {  	[sflag:s20] =	ssyncadd.s32 $0xFFFFFF80  }
0x23: {  	[tilespmem:s21], [sflag:$0x4] =	stream.indirect.gather [hbm4b:s3+s17], $0x80, s17, s17, $0xb8;
	[tilespmem:$0x8100] =	vst v63  }
0x24: {  	_ =	swait.ge [sflag:s22], $0x4000  }
0x25: {  	[sflag:s22] =	ssyncset.done $0x0  }
0x26: {  	[sflag:s22] =	ssyncadd.s32 $0xFFFFC000  }
0x27: {  	[tilespmem:s2], [sflag:$0x1] =	stream.linear.gather [hbm4b:s7+s2], $0x80, $0x38;
	[tilespmem:$0x8100] =	vst v63  }
0x28: {  	_ = 	snop  }
0x29: {  	[hbm4b:s8+s2] =	stream.linear.scatter [tilespmem:s19], [sflag:$0x5], $0x4000, $0x38;
	[tilespmem:$0x8100] =	vst v63  }
0x2a: {  	_ =	swait.ge [sflag:s23], $0x4000  }
0x2b: {  	[sflag:s23] =	ssyncset.done $0x0  }
0x2c: {  	[sflag:s23] =	ssyncadd.s32 $0xFFFFC000  }
0x2d: {  	[tilespmem:s17], [sflag:$0x2] =	stream.linear.gather [hbm4b:s9+s2], $0x80, $0x38;
	[tilespmem:$0x8100] =	vst v63  }
0x2e: {  	_ = 	snop  }
0x2f: {  	[hbm4b:s10+s2] =	stream.linear.scatter [tilespmem:s21], [sflag:$0x6], $0x4000, $0x38;
	[tilespmem:$0x8100] =	vst v63  }
0x30: {  	_ =	swait.ge [sflag:s18], $0x80  }
0x31: {  	[sflag:s18] =	ssyncset.done $0x0  }
0x32: {  	[sflag:s18] =	ssyncadd.s32 $0xFFFFFF80  }
0x33: {  	_ =	swait.ge [sflag:s24], $0x4000  }
0x34: {  	[sflag:s24] =	ssyncset.done $0x0  }
0x35: {  	[sflag:s24] =	ssyncadd.s32 $0xFFFFC000  }
0x36: {  	[tilespmem:s19], [sflag:$0x3] =	stream.indirect.gather [hbm4b:s3+s17], $0x80, s2, s17, $0xb8;
	[tilespmem:$0x8100] =	vst v63  }
0x37: {  	_ =	swait.ge [sflag:s20], $0x80  }
0x38: {  	[sflag:s20] =	ssyncset.done $0x0  }
0x39: {  	[sflag:s20] =	ssyncadd.s32 $0xFFFFFF80  }
0x3a: {  	_ =	swait.ge [sflag:s25], $0x4000  }
0x3b: {  	[sflag:s25] =	ssyncset.done $0x0  }
0x3c: {  	[sflag:s25] =	ssyncadd.s32 $0xFFFFC000  }
0x3d: {  	[tilespmem:s21], [sflag:$0x4] =	stream.indirect.gather [hbm4b:s3+s17], $0x80, s17, s17, $0xb8;
	[tilespmem:$0x8100] =	vst v63  }
0x3e: {  	_ =	swait.ge [sflag:s22], $0x4000  }
0x3f: {  	[sflag:s22] =	ssyncset.done $0x0  }
0x40: {  	s28 =	sadd.s32 $0x0, s15;
	[sflag:s22] =	ssyncadd.s32 $0xFFFFC000  }
0x41: {  	[tilespmem:s2], [sflag:$0x1] =	stream.linear.gather [hbm4b:s28+s2], $0x80, $0x38;
	[tilespmem:$0x8100] =	vst v63  }
0x42: {  	_ = 	snop  }
0x43: {  	[hbm4b:s13+s2] =	stream.linear.scatter [tilespmem:s19], [sflag:$0x5], $0x4000, $0x38;
	[tilespmem:$0x8100] =	vst v63  }
0x44: {  	_ =	swait.ge [sflag:s23], $0x4000  }
0x45: {  	[sflag:s23] =	ssyncset.done $0x0  }
0x46: {  	s29 =	sadd.s32 $0x1000, s13;
	s28 =	sadd.s32 $0x0, s14;
	[sflag:s23] =	ssyncadd.s32 $0xFFFFC000  }
0x47: {  	[tilespmem:s17], [sflag:$0x2] =	stream.linear.gather [hbm4b:s28+s2], $0x80, $0x38;
	[tilespmem:$0x8100] =	vst v63  }
0x48: {  	s30 =	sadd.s32 $0x1000, s16;
	s31 =	smov.u32 s16;
	s28 =	simm.s32 $0x20  }
.LBB2_2:
0x49: {  	[hbm4b:s31+s2] =	stream.linear.scatter [tilespmem:s21], [sflag:$0x6], $0x4000, $0x38;
	[tilespmem:$0x8100] =	vst v63  }
0x4a: {  	s1 =	smov.u32 s28;
	s31 =	smov.u32 s30  }
0x4b: {  	p0 =	sne.s32 s28, $0x220;
	s28 =	sadd.s32 $0x20, s28;
	_ =	swait.ge [sflag:s18], $0x80  }
0x4c: {  	[sflag:s18] =	ssyncset.done $0x0  }
0x4d: {  	[sflag:s18] =	ssyncadd.s32 $0xFFFFFF80  }
0x4e: {  	_ =	swait.ge [sflag:s24], $0x4000  }
0x4f: {  	[sflag:s24] =	ssyncset.done $0x0  }
0x50: {  	[sflag:s24] =	ssyncadd.s32 $0xFFFFC000  }
0x51: {  	[tilespmem:s19], [sflag:$0x3] =	stream.indirect.gather [hbm4b:s3+s17], $0x80, s2, s17, $0xb8;
	[tilespmem:$0x8100] =	vst v63  }
0x52: {  	_ =	swait.ge [sflag:s20], $0x80  }
0x53: {  	[sflag:s20] =	ssyncset.done $0x0  }
0x54: {  	[sflag:s20] =	ssyncadd.s32 $0xFFFFFF80  }
0x55: {  	_ =	swait.ge [sflag:s25], $0x4000  }
0x56: {  	[sflag:s25] =	ssyncset.done $0x0  }
0x57: {  	[sflag:s25] =	ssyncadd.s32 $0xFFFFC000  }
0x58: {  	[tilespmem:s21], [sflag:$0x4] =	stream.indirect.gather [hbm4b:s3+s17], $0x80, s17, s17, $0xb8;
	[tilespmem:$0x8100] =	vst v63  }
0x59: {  	_ =	swait.ge [sflag:s22], $0x4000  }
0x5a: {  	[sflag:s22] =	ssyncset.done $0x0  }
0x5b: {  	s0 =	sadd.s32 s1, s15;
	[sflag:s22] =	ssyncadd.s32 $0xFFFFC000  }
0x5c: {  	[tilespmem:s2], [sflag:$0x1] =	stream.linear.gather [hbm4b:s0+s2], $0x80, $0x38;
	[tilespmem:$0x8100] =	vst v63  }
0x5d: {  	_ = 	snop  }
0x5e: {  	[hbm4b:s29+s2] =	stream.linear.scatter [tilespmem:s19], [sflag:$0x5], $0x4000, $0x38;
	[tilespmem:$0x8100] =	vst v63  }
.Ltmp0:
0x5f: {  	_ =	swait.ge [sflag:s23], $0x4000;
	(pc) =	sbr.rel @p0 .LBB2_2-.Ltmp0, $4  }
0x60: {  	[sflag:s23] =	ssyncset.done $0x0  }
0x61: {  	s0 =	sadd.s32 s1, s14;
	[sflag:s23] =	ssyncadd.s32 $0xFFFFC000  }
0x62: {  	[tilespmem:s17], [sflag:$0x2] =	stream.linear.gather [hbm4b:s0+s2], $0x80, $0x38;
	[tilespmem:$0x8100] =	vst v63  }
0x63: {  	s30 =	sadd.s32 $0x1000, s30;
	s29 =	sadd.s32 $0x1000, s29  }
0x64: {  	[hbm4b:s31+s2] =	stream.linear.scatter [tilespmem:s21], [sflag:$0x6], $0x4000, $0x38;
	[tilespmem:$0x8100] =	vst v63  }
0x65: {  	_ =	swait.ge [sflag:s18], $0x80  }
0x66: {  	[sflag:s18] =	ssyncset.done $0x0  }
0x67: {  	[sflag:s18] =	ssyncadd.s32 $0xFFFFFF80  }
0x68: {  	_ =	swait.ge [sflag:s24], $0x4000  }
0x69: {  	[sflag:s24] =	ssyncset.done $0x0  }
0x6a: {  	[sflag:s24] =	ssyncadd.s32 $0xFFFFC000  }
0x6b: {  	[tilespmem:s19], [sflag:$0x3] =	stream.indirect.gather [hbm4b:s3+s17], $0x80, s2, s17, $0xb8;
	[tilespmem:$0x8100] =	vst v63  }
0x6c: {  	_ =	swait.ge [sflag:s20], $0x80  }
0x6d: {  	[sflag:s20] =	ssyncset.done $0x0  }
0x6e: {  	[sflag:s20] =	ssyncadd.s32 $0xFFFFFF80  }
0x6f: {  	_ =	swait.ge [sflag:s25], $0x4000  }
0x70: {  	[sflag:s25] =	ssyncset.done $0x0  }
0x71: {  	[sflag:s25] =	ssyncadd.s32 $0xFFFFC000  }
0x72: {  	[tilespmem:s21], [sflag:$0x4] =	stream.indirect.gather [hbm4b:s3+s17], $0x80, s17, s17, $0xb8;
	[tilespmem:$0x8100] =	vst v63  }
0x73: {  	_ =	swait.ge [sflag:s22], $0x4000  }
0x74: {  	[sflag:s22] =	ssyncset.done $0x0  }
0x75: {  	[sflag:s22] =	ssyncadd.s32 $0xFFFFC000  }
0x76: {  	[hbm4b:s11+s2] =	stream.linear.scatter [tilespmem:s19], [sflag:$0x5], $0x4000, $0x38;
	[tilespmem:$0x8100] =	vst v63  }
0x77: {  	_ =	swait.ge [sflag:s23], $0x4000  }
0x78: {  	[sflag:s23] =	ssyncset.done $0x0  }
0x79: {  	s26 =	sadd.s32 $0x1, s26;
	[sflag:s23] =	ssyncadd.s32 $0xFFFFC000  }
0x7a: {  	[hbm4b:s12+s2] =	stream.linear.scatter [tilespmem:s21], [sflag:$0x6], $0x4000, $0x38;
	[tilespmem:$0x8100] =	vst v63  }
0x7b: {  	p0 =	sne.s32 s26, s6;
	_ =	swait.ge [sflag:s24], $0x4000  }
.Ltmp1:
0x7c: {  	[sflag:s24] =	ssyncset.done $0x0;
	(pc) =	sbr.rel @p0 .LBB2_1-.Ltmp1, $4  }
0x7d: {  	[sflag:s24] =	ssyncadd.s32 $0xFFFFC000  }
0x7e: {  	_ =	swait.ge [sflag:s25], $0x4000  }
0x7f: {  	[sflag:s25] =	ssyncset.done $0x0  }
0x80: {  	[sflag:s25] =	ssyncadd.s32 $0xFFFFC000  }
0x81: {  	_ =	sfence.sel $0x180000  }
0x82: {  	[bflag:$0x0] =	sbarrier.arrive $0xFFFF  }
0x83: {  	_ =	strace $0x90000047  }
0x84: {  	s0 =	stileid.u32;
	[bflag:$0x2] =	sbarrier.arrive $0xFFFF  }
0x85: {  	p0 =	sne.s32 s0, $0x0;
	s0 =	rddreg [dreg:$0x1]  }
0x86: {  	s0 =	sadd.s32 @!p0 $0x100000, s0  }
0x87: {  	[sflag:s0] =	ssyncadd.tile.s32 @!p0 $0x1;
	_ =	shalt  }
.Lfunc_end2:
_tile_overlayer_lowered:
.L_overlay_start_2:
0x88: {  	(tag) =	ssettag $0x2  }
0x89: {  	s0 =	rddreg [dreg:$0x0];
	s2 =	stileid.u32  }
0x8a: {  	s1 =	rddreg [dreg:$0x1];
	p0 =	sne.s32 s2, $0x0  }
0x8b: {  	s3 =	rddreg [dreg:$0x2];
	[bflag:$0x3] =	sbarrier.arrive $0xFFFF;
	s2 =	simm.s32 @!p0 $0x1C07  }
0x8c: {  	[timem:s3], [sflag:s2] =	dma.local @!p0 [hbm:s0], s1  }
0x8d: {  	s0 =	simm.s32 @!p0 $0x7  }
0x8e: {  	_ =	swait.ge @!p0 [sflag:s0], s1  }
0x8f: {  	s1 =	ssub.s32 @!p0 $0x0, s1;
	[sflag:s0] =	ssyncset.done @!p0 $0x0  }
0x90: {  	[sflag:s0] =	ssyncadd.s32 @!p0 s1  }
0x91: {  	[bflag:$0x3] =	sbarrier.arrive $0xFFFF  }
0x92: {  	_ =	shalt  }

</sc_bundles>
